<compile_context>
chip_gen: v7x
topology: tpu7x:2x2x1
jax: 0.10.2.dev20260603
libtpu: 0.0.44.dev20260713+nightly
codegen_flags: <defaults>
</compile_context>

<pallas_src>
import functools

import jax
import jax.numpy as jnp
from jax import lax
from jax.experimental import pallas as pl
from jax.experimental.pallas import tpu as pltpu
from jax.experimental.pallas import tpu_sc as plsc

N_CORES = 2
N_SUBCORES = 16
NW = N_CORES * N_SUBCORES
CHUNK = 128


def _sc_gather(table, idx2d, total_rows):
    n, c = table.shape
    _, cnt, _ = idx2d.shape
    outer = (cnt + 3) // 3
    mesh = plsc.VectorSubcoreMesh(core_axis_name="c", subcore_axis_name="s")

    @functools.partial(
        pl.kernel,
        mesh=mesh,
        out_type=jax.ShapeDtypeStruct((total_rows, c), jnp.float32),
        scratch_types=[
            pltpu.VMEM((cnt, CHUNK), jnp.int32),
            pltpu.VMEM((3, CHUNK, c), jnp.float32),
            pltpu.SemaphoreType.DMA,
            pltpu.SemaphoreType.DMA,
            pltpu.SemaphoreType.DMA,
            pltpu.SemaphoreType.DMA,
            pltpu.SemaphoreType.DMA,
            pltpu.SemaphoreType.DMA,
        ],
    )
    def k(table_hbm, idx_hbm, out_hbm, idx_all, rows_v, sg0, sg1, sg2, sw0, sw1, sw2):
        sg = [sg0, sg1, sg2]
        sw = [sw0, sw1, sw2]
        wid = lax.axis_index("s") * N_CORES + lax.axis_index("c")
        start = wid * cnt
        pltpu.sync_copy(idx_hbm.at[wid], idx_all)
        pltpu.async_copy(table_hbm.at[idx_all.at[0]], rows_v.at[0], sg[0])
        pltpu.async_copy(table_hbm.at[idx_all.at[1]], rows_v.at[1], sg[1])

        def outer_step(jj, carry):
            for b in range(3):
                j = jj * 3 + b
                bn = (b + 2) % 3

                @pl.when((j >= 1) & (j <= cnt))
                def _():
                    pltpu.make_async_copy(
                        rows_v.at[bn], out_hbm.at[pl.ds(0, CHUNK)], sw[bn]
                    ).wait()

                @pl.when(j + 2 < cnt)
                def _():
                    pltpu.async_copy(
                        table_hbm.at[idx_all.at[j + 2]], rows_v.at[bn], sg[bn])

                @pl.when(j < cnt)
                def _():
                    pltpu.make_async_copy(
                        table_hbm.at[idx_all.at[j]], rows_v.at[b], sg[b]
                    ).wait()
                    pltpu.async_copy(
                        rows_v.at[b],
                        out_hbm.at[pl.ds((start + j) * CHUNK, CHUNK)], sw[b])

            return carry

        lax.fori_loop(0, outer, outer_step, 0)

    return k(table, idx2d)


def _tc_combine(gathered, guid2, w2d, m, kk, c, cmid, bm, grp):
    ng = bm // grp
    rg = grp * kk
    dg = grp * cmid

    def body(g_ref, guid_ref, w_ref, out_ref):
        row8 = lax.broadcasted_iota(jnp.int32, (8, c), 0)
        col8 = lax.broadcasted_iota(jnp.int32, (8, c), 1)
        exp = (col8 // (c // 8) == row8).astype(jnp.float32)
        guid2 = guid_ref[...].reshape(bm * kk, 8)
        gexp = jnp.dot(guid2, exp, preferred_element_type=jnp.float32)
        g3 = g_ref[...] * gexp
        t2r = lax.broadcasted_iota(jnp.int32, (cmid, dg), 0)
        t2c = lax.broadcasted_iota(jnp.int32, (cmid, dg), 1)
        t2 = (t2r == t2c % cmid).astype(jnp.float32)
        mkr = lax.broadcasted_iota(jnp.int32, (rg, dg), 0)
        mkc = lax.broadcasted_iota(jnp.int32, (rg, dg), 1)
        mask_t = (mkr // kk == mkc // cmid).astype(jnp.float32)
        w2 = w_ref[...].reshape(bm * kk, cmid)
        for gg in range(ng):
            g3g = g3[gg * rg : (gg + 1) * rg, :]
            w3g = w2[gg * rg : (gg + 1) * rg, :]
            w2t = jnp.dot(w3g, t2, preferred_element_type=jnp.float32) * mask_t
            out_g = lax.dot_general(
                w2t, g3g, (((0,), (0,)), ((), ())),
                preferred_element_type=jnp.float32)
            out_ref[gg * grp : (gg + 1) * grp] = out_g.reshape(grp, cmid, c)

    grid = (m // bm,)
    return pl.pallas_call(
        body,
        grid=grid,
        in_specs=[
            pl.BlockSpec((bm * kk, c), lambda i: (i, 0)),
            pl.BlockSpec((1, bm, kk, 8), lambda i: (0, i, 0, 0)),
            pl.BlockSpec((1, bm, kk, cmid), lambda i: (0, i, 0, 0)),
        ],
        out_specs=pl.BlockSpec((bm, cmid, c), lambda i: (i, 0, 0)),
        out_shape=jax.ShapeDtypeStruct((m, cmid, c), jnp.float32),
    )(gathered, guid2, w2d)


def kernel(input_features, neighbor_inds, guidance, weightnet):
    b, n, c = input_features.shape
    _, m, kk = neighbor_inds.shape
    h = guidance.shape[-1]
    cmid = weightnet.shape[-1]
    assert b == 1

    table = input_features[0]
    nch = -(-(m * kk) // CHUNK)
    per_w = -(-nch // NW)
    per_w += (-per_w) % 8
    idx_flat = neighbor_inds.reshape(-1)
    idx3 = jnp.pad(idx_flat, (0, NW * per_w * CHUNK - m * kk)).reshape(
        NW, per_w, CHUNK)
    gathered = _sc_gather(table, idx3, NW * per_w * CHUNK)

    guid3 = guidance
    w3d = weightnet

    out_t3 = _tc_combine(gathered, guid3, w3d, m, kk, c, cmid, bm=80, grp=8)
    return jnp.swapaxes(out_t3, 1, 2).reshape(b, m, c * cmid)

# --- scband reference (transcript-rebuilt; emitter-appended) ---
"""Pipeline reference for scband-pcf-9165460209717 (READ-ONLY COPY).

The authoritative reference and input builder live on the scoring server;
editing this copy changes nothing except your own understanding.
"""

import jax, jax.numpy as jnp
import numpy as np

B, N, M, K, C, H, CMID = 1, 10000, 10000, 32, 128, 8, 16


def setup_inputs(seed: int = 0) -> dict:
    key = jax.random.key(seed)
    k1, k2, k3, k4 = jax.random.split(key, 4)
    input_features = jax.random.normal(k1, (B, N, C), dtype=jnp.float32)
    neighbor_inds = jax.random.randint(k2, (B, M, K), 0, N, dtype=jnp.int32)
    guidance = jax.random.uniform(k3, (B, M, K, H), dtype=jnp.float32)
    weightnet = jax.random.normal(k4, (B, M, K, CMID), dtype=jnp.float32)
    return {
        "input_features": input_features,
        "neighbor_inds": neighbor_inds,
        "guidance": guidance,
        "weightnet": weightnet,
    }


def reference(input_features, neighbor_inds, guidance, weightnet):
    # PCF (PointConvFormer) fused op, faithful math:
    # 1) gather neighbor features: [B, M, K, C]
    # 2) multiply by per-head guidance scores (heads split channel dim)
    # 3) per-point matmul with weightnet: (C x K) @ (K x C_mid) -> [B, M, C*C_mid]
    b, n, c = input_features.shape
    _, m, k = neighbor_inds.shape
    h = guidance.shape[-1]
    cmid = weightnet.shape[-1]
    gathered = jax.vmap(lambda feat, idx: jnp.take(feat, idx, axis=0))(
        input_features, neighbor_inds
    )  # [B, M, K, C]
    gathered = gathered.reshape(b, m, k, h, c // h) * guidance[..., None]
    gathered = gathered.reshape(b, m, k, c)
    out = jnp.einsum("bmkc,bmkd->bmcd", gathered, weightnet)  # [B, M, C, C_mid]
    return out.reshape(b, m, c * cmid)

if __name__ == "__main__":
    import jax
    _d = setup_inputs()
    print(jax.jit(kernel)(*tuple(_d.values())))

</pallas_src>

<mosaic_0001>
#map = affine_map<(d0, d1) -> (0, 0)>
#map1 = affine_map<(d0, d1) -> (0, 0, 0)>
module attributes {stable_mosaic.version = 14 : i64} {
  func.func @k(%arg0: i32, %arg1: i32, %arg2: memref<10000x128xf32, #tpu.memory_space<hbm>>, %arg3: memref<32x80x128xi32, #tpu.memory_space<hbm>>, %arg4: memref<327680x128xf32, #tpu.memory_space<hbm>>, %arg5: memref<80x128xi32, #tpu.memory_space<vmem>>, %arg6: memref<3x128x128xf32, #tpu.memory_space<vmem>>, %arg7: memref<!tpu.dma_semaphore, #tpu.memory_space<semaphore_mem>>, %arg8: memref<!tpu.dma_semaphore, #tpu.memory_space<semaphore_mem>>, %arg9: memref<!tpu.dma_semaphore, #tpu.memory_space<semaphore_mem>>, %arg10: memref<!tpu.dma_semaphore, #tpu.memory_space<semaphore_mem>>, %arg11: memref<!tpu.dma_semaphore, #tpu.memory_space<semaphore_mem>>, %arg12: memref<!tpu.dma_semaphore, #tpu.memory_space<semaphore_mem>>) attributes {dimension_semantics = [#tpu.dimension_semantics<core_parallel>, #tpu.dimension_semantics<subcore_parallel>], iteration_bounds = array<i64: 2, 16>, scalar_prefetch = 0 : i64, scratch_operands = 8 : i64, tpu.core_type = #tpu.core_type<sc_vector_subcore>, window_params = [{transform_indices = #map}, {transform_indices = #map1}, {transform_indices = #map}]} {
    %mul3A = arith.constant 2 : i32
    %mul3A_0 = arith.muli %arg1, %mul3A : i32
    %add3A = arith.addi %mul3A_0, %arg0 : i32
    %mul3A_1 = arith.constant 80 : i32
    %mul3A_2 = arith.muli %add3A, %mul3A_1 : i32
    "tpu.region"() ({
      %run_scoped3A = tpu.sem_alloc : memref<!tpu.dma_semaphore, #tpu.memory_space<semaphore_mem>>
      %dma_start3A_31 = arith.constant 0 : i32
      %dma_start3A_32 = arith.constant 0 : i32
      %dma_start3A_33 = tpu.memref_slice %arg3[%add3A, %dma_start3A_31, %dma_start3A_32] : memref<32x80x128xi32, #tpu.memory_space<hbm>> -> memref<1x80x128xi32, #tpu.memory_space<hbm>>
      %dma_start3A_34 = tpu.memref_squeeze %dma_start3A_33 : memref<1x80x128xi32, #tpu.memory_space<hbm>> -> memref<80x128xi32, #tpu.memory_space<hbm>>
      %dma_start3A_35 = arith.constant 0 : i32
      %dma_start3A_36 = arith.constant 0 : i32
      %dma_start3A_37 = tpu.memref_slice %arg3[%add3A, %dma_start3A_35, %dma_start3A_36] : memref<32x80x128xi32, #tpu.memory_space<hbm>> -> memref<1x80x128xi32, #tpu.memory_space<hbm>>
      %dma_start3A_38 = tpu.memref_squeeze %dma_start3A_37 : memref<1x80x128xi32, #tpu.memory_space<hbm>> -> memref<80x128xi32, #tpu.memory_space<hbm>>
      tpu.enqueue_dma source(%dma_start3A_38 : memref<80x128xi32, #tpu.memory_space<hbm>>) target(%arg5 : memref<80x128xi32, #tpu.memory_space<vmem>>) target_semaphore(%run_scoped3A : memref<!tpu.dma_semaphore, #tpu.memory_space<semaphore_mem>>)
      %dma_wait3A = arith.constant 0 : i32
      %dma_wait3A_39 = arith.constant 0 : i32
      %dma_wait3A_40 = tpu.memref_slice %arg3[%add3A, %dma_wait3A, %dma_wait3A_39] : memref<32x80x128xi32, #tpu.memory_space<hbm>> -> memref<1x80x128xi32, #tpu.memory_space<hbm>>
      %dma_wait3A_41 = tpu.memref_squeeze %dma_wait3A_40 : memref<1x80x128xi32, #tpu.memory_space<hbm>> -> memref<80x128xi32, #tpu.memory_space<hbm>>
      %dma_wait3A_42 = arith.constant 0 : i32
      %dma_wait3A_43 = arith.constant 0 : i32
      %dma_wait3A_44 = tpu.memref_slice %arg3[%add3A, %dma_wait3A_42, %dma_wait3A_43] : memref<32x80x128xi32, #tpu.memory_space<hbm>> -> memref<1x80x128xi32, #tpu.memory_space<hbm>>
      %dma_wait3A_45 = tpu.memref_squeeze %dma_wait3A_44 : memref<1x80x128xi32, #tpu.memory_space<hbm>> -> memref<80x128xi32, #tpu.memory_space<hbm>>
      tpu.wait_dma2 semaphore(%run_scoped3A : memref<!tpu.dma_semaphore, #tpu.memory_space<semaphore_mem>>) src(%dma_wait3A_45 : memref<80x128xi32, #tpu.memory_space<hbm>>) dst(%arg5 : memref<80x128xi32, #tpu.memory_space<vmem>>)
      tpu.yield
    }) : () -> ()
    %dma_start3A = arith.constant 0 : i32
    %dma_start3A_3 = arith.constant 0 : i32
    %dma_start3A_4 = arith.constant 0 : i32
    %dma_start3A_5 = arith.constant 0 : i32
    %dma_start3A_6 = tpu.memref_slice %arg6[%dma_start3A_3, %dma_start3A_4, %dma_start3A_5] : memref<3x128x128xf32, #tpu.memory_space<vmem>> -> memref<1x128x128xf32, #tpu.memory_space<vmem>>
    %dma_start3A_7 = tpu.memref_squeeze %dma_start3A_6 : memref<1x128x128xf32, #tpu.memory_space<vmem>> -> memref<128x128xf32, #tpu.memory_space<vmem>>
    %dma_start3A_8 = arith.constant 0 : i32
    %dma_start3A_9 = tpu.memref_slice %arg5[%dma_start3A, %dma_start3A_8] : memref<80x128xi32, #tpu.memory_space<vmem>> -> memref<1x128xi32, #tpu.memory_space<vmem>>
    %dma_start3A_10 = tpu.memref_squeeze %dma_start3A_9 : memref<1x128xi32, #tpu.memory_space<vmem>> -> memref<128xi32, #tpu.memory_space<vmem>>
    %dma_start3A_11 = arith.constant 0 : i32
    %dma_start3A_12 = arith.constant 0 : i32
    %dma_start3A_13 = tpu.memref_slice %arg2[%dma_start3A_11, %dma_start3A_12] : memref<10000x128xf32, #tpu.memory_space<hbm>> -> memref<10000x128xf32, #tpu.memory_space<hbm>>
    tpu.enqueue_indirect_dma source(%dma_start3A_13 : memref<10000x128xf32, #tpu.memory_space<hbm>>) target(%dma_start3A_7 : memref<128x128xf32, #tpu.memory_space<vmem>>) offsets(%dma_start3A_10 : memref<128xi32, #tpu.memory_space<vmem>>) semaphore(%arg7 : memref<!tpu.dma_semaphore, #tpu.memory_space<semaphore_mem>>)
    %dma_start3A_14 = arith.constant 1 : i32
    %dma_start3A_15 = arith.constant 1 : i32
    %dma_start3A_16 = arith.constant 0 : i32
    %dma_start3A_17 = arith.constant 0 : i32
    %dma_start3A_18 = tpu.memref_slice %arg6[%dma_start3A_15, %dma_start3A_16, %dma_start3A_17] : memref<3x128x128xf32, #tpu.memory_space<vmem>> -> memref<1x128x128xf32, #tpu.memory_space<vmem>>
    %dma_start3A_19 = tpu.memref_squeeze %dma_start3A_18 : memref<1x128x128xf32, #tpu.memory_space<vmem>> -> memref<128x128xf32, #tpu.memory_space<vmem>>
    %dma_start3A_20 = arith.constant 0 : i32
    %dma_start3A_21 = tpu.memref_slice %arg5[%dma_start3A_14, %dma_start3A_20] : memref<80x128xi32, #tpu.memory_space<vmem>> -> memref<1x128xi32, #tpu.memory_space<vmem>>
    %dma_start3A_22 = tpu.memref_squeeze %dma_start3A_21 : memref<1x128xi32, #tpu.memory_space<vmem>> -> memref<128xi32, #tpu.memory_space<vmem>>
    %dma_start3A_23 = arith.constant 0 : i32
    %dma_start3A_24 = arith.constant 0 : i32
    %dma_start3A_25 = tpu.memref_slice %arg2[%dma_start3A_23, %dma_start3A_24] : memref<10000x128xf32, #tpu.memory_space<hbm>> -> memref<10000x128xf32, #tpu.memory_space<hbm>>
    tpu.enqueue_indirect_dma source(%dma_start3A_25 : memref<10000x128xf32, #tpu.memory_space<hbm>>) target(%dma_start3A_19 : memref<128x128xf32, #tpu.memory_space<vmem>>) offsets(%dma_start3A_22 : memref<128xi32, #tpu.memory_space<vmem>>) semaphore(%arg8 : memref<!tpu.dma_semaphore, #tpu.memory_space<semaphore_mem>>)
    %scan3A = arith.constant 0 : i32
    %scan3A_26 = arith.constant 0 : i32
    %scan3A_27 = arith.constant 27 : i32
    %scan3A_28 = arith.addi %scan3A_26, %scan3A_27 : i32
    %scan3A_29 = arith.constant 1 : i32
    scf.for %scan3A_31 = %scan3A_26 to %scan3A_28 step %scan3A_29  : i32 {
      %mul3A_32 = arith.constant 3 : i32
      %mul3A_33 = arith.muli %scan3A_31, %mul3A_32 : i32
      %add3A_34 = arith.constant 0 : i32
      %add3A_35 = arith.addi %mul3A_33, %add3A_34 : i32
      %ge3A = arith.constant 1 : i32
      %ge3A_36 = arith.cmpi sge, %add3A_35, %ge3A : i32
      %le3A = arith.constant 80 : i32
      %le3A_37 = arith.cmpi sle, %add3A_35, %le3A : i32
      %and3A = arith.andi %ge3A_36, %le3A_37 : i1
      %convert_element_type3A = arith.extui %and3A : i1 to i32
      %cond3A = arith.constant 0 : i32
      %cond3A_38 = arith.cmpi ne, %convert_element_type3A, %cond3A : i32
      scf.if %cond3A_38 {
        %dma_wait3A = arith.constant 2 : i32
        %dma_wait3A_98 = arith.constant 0 : i32
        %dma_wait3A_99 = arith.constant 0 : i32
        %dma_wait3A_100 = tpu.memref_slice %arg6[%dma_wait3A, %dma_wait3A_98, %dma_wait3A_99] : memref<3x128x128xf32, #tpu.memory_space<vmem>> -> memref<1x128x128xf32, #tpu.memory_space<vmem>>
        %dma_wait3A_101 = tpu.memref_squeeze %dma_wait3A_100 : memref<1x128x128xf32, #tpu.memory_space<vmem>> -> memref<128x128xf32, #tpu.memory_space<vmem>>
        %dma_wait3A_102 = arith.constant 0 : i32
        %dma_wait3A_103 = arith.constant 0 : i32
        %dma_wait3A_104 = tpu.memref_slice %arg4[%dma_wait3A_102, %dma_wait3A_103] : memref<327680x128xf32, #tpu.memory_space<hbm>> -> memref<128x128xf32, #tpu.memory_space<hbm>>
        %dma_wait3A_105 = arith.constant 0 : i32
        %dma_wait3A_106 = arith.constant 0 : i32
        %dma_wait3A_107 = tpu.memref_slice %arg4[%dma_wait3A_105, %dma_wait3A_106] : memref<327680x128xf32, #tpu.memory_space<hbm>> -> memref<128x128xf32, #tpu.memory_space<hbm>>
        %dma_wait3A_108 = arith.constant 0 : i32
        %dma_wait3A_109 = arith.constant 0 : i32
        %dma_wait3A_110 = tpu.memref_slice %arg6[%dma_wait3A, %dma_wait3A_108, %dma_wait3A_109] : memref<3x128x128xf32, #tpu.memory_space<vmem>> -> memref<1x128x128xf32, #tpu.memory_space<vmem>>
        %dma_wait3A_111 = tpu.memref_squeeze %dma_wait3A_110 : memref<1x128x128xf32, #tpu.memory_space<vmem>> -> memref<128x128xf32, #tpu.memory_space<vmem>>
        tpu.wait_dma2 semaphore(%arg12 : memref<!tpu.dma_semaphore, #tpu.memory_space<semaphore_mem>>) src(%dma_wait3A_111 : memref<128x128xf32, #tpu.memory_space<vmem>>) dst(%dma_wait3A_107 : memref<128x128xf32, #tpu.memory_space<hbm>>)
      } else {
      }
      %add3A_39 = arith.constant 2 : i32
      %add3A_40 = arith.addi %add3A_35, %add3A_39 : i32
      %lt3A = arith.constant 80 : i32
      %lt3A_41 = arith.cmpi slt, %add3A_40, %lt3A : i32
      %convert_element_type3A_42 = arith.extui %lt3A_41 : i1 to i32
      %cond3A_43 = arith.constant 0 : i32
      %cond3A_44 = arith.cmpi ne, %convert_element_type3A_42, %cond3A_43 : i32
      scf.if %cond3A_44 {
        %add3A_98 = arith.constant 2 : i32
        %add3A_99 = arith.addi %add3A_35, %add3A_98 : i32
        %dma_start3A_100 = arith.constant 2 : i32
        %dma_start3A_101 = arith.constant 0 : i32
        %dma_start3A_102 = arith.constant 0 : i32
        %dma_start3A_103 = tpu.memref_slice %arg6[%dma_start3A_100, %dma_start3A_101, %dma_start3A_102] : memref<3x128x128xf32, #tpu.memory_space<vmem>> -> memref<1x128x128xf32, #tpu.memory_space<vmem>>
        %dma_start3A_104 = tpu.memref_squeeze %dma_start3A_103 : memref<1x128x128xf32, #tpu.memory_space<vmem>> -> memref<128x128xf32, #tpu.memory_space<vmem>>
        %dma_start3A_105 = arith.constant 0 : i32
        %dma_start3A_106 = tpu.memref_slice %arg5[%add3A_99, %dma_start3A_105] : memref<80x128xi32, #tpu.memory_space<vmem>> -> memref<1x128xi32, #tpu.memory_space<vmem>>
        %dma_start3A_107 = tpu.memref_squeeze %dma_start3A_106 : memref<1x128xi32, #tpu.memory_space<vmem>> -> memref<128xi32, #tpu.memory_space<vmem>>
        %dma_start3A_108 = arith.constant 0 : i32
        %dma_start3A_109 = arith.constant 0 : i32
        %dma_start3A_110 = tpu.memref_slice %arg2[%dma_start3A_108, %dma_start3A_109] : memref<10000x128xf32, #tpu.memory_space<hbm>> -> memref<10000x128xf32, #tpu.memory_space<hbm>>
        tpu.enqueue_indirect_dma source(%dma_start3A_110 : memref<10000x128xf32, #tpu.memory_space<hbm>>) target(%dma_start3A_104 : memref<128x128xf32, #tpu.memory_space<vmem>>) offsets(%dma_start3A_107 : memref<128xi32, #tpu.memory_space<vmem>>) semaphore(%arg9 : memref<!tpu.dma_semaphore, #tpu.memory_space<semaphore_mem>>)
      } else {
      }
      %lt3A_45 = arith.constant 80 : i32
      %lt3A_46 = arith.cmpi slt, %add3A_35, %lt3A_45 : i32
      %convert_element_type3A_47 = arith.extui %lt3A_46 : i1 to i32
      %cond3A_48 = arith.constant 0 : i32
      %cond3A_49 = arith.cmpi ne, %convert_element_type3A_47, %cond3A_48 : i32
      scf.if %cond3A_49 {
        %dma_wait3A = arith.constant 0 : i32
        %dma_wait3A_98 = arith.constant 0 : i32
        %dma_wait3A_99 = arith.constant 0 : i32
        %dma_wait3A_100 = tpu.memref_slice %arg6[%dma_wait3A, %dma_wait3A_98, %dma_wait3A_99] : memref<3x128x128xf32, #tpu.memory_space<vmem>> -> memref<1x128x128xf32, #tpu.memory_space<vmem>>
        %dma_wait3A_101 = tpu.memref_squeeze %dma_wait3A_100 : memref<1x128x128xf32, #tpu.memory_space<vmem>> -> memref<128x128xf32, #tpu.memory_space<vmem>>
        %dma_wait3A_102 = arith.constant 0 : i32
        %dma_wait3A_103 = tpu.memref_slice %arg5[%add3A_35, %dma_wait3A_102] : memref<80x128xi32, #tpu.memory_space<vmem>> -> memref<1x128xi32, #tpu.memory_space<vmem>>
        %dma_wait3A_104 = tpu.memref_squeeze %dma_wait3A_103 : memref<1x128xi32, #tpu.memory_space<vmem>> -> memref<128xi32, #tpu.memory_space<vmem>>
        %dma_wait3A_105 = arith.constant 0 : i32
        %dma_wait3A_106 = arith.constant 0 : i32
        %dma_wait3A_107 = tpu.memref_slice %arg2[%dma_wait3A_105, %dma_wait3A_106] : memref<10000x128xf32, #tpu.memory_space<hbm>> -> memref<10000x128xf32, #tpu.memory_space<hbm>>
        tpu.wait_indirect_dma semaphore(%arg7 : memref<!tpu.dma_semaphore, #tpu.memory_space<semaphore_mem>>) src(%dma_wait3A_107 : memref<10000x128xf32, #tpu.memory_space<hbm>>) dst(%dma_wait3A_101 : memref<128x128xf32, #tpu.memory_space<vmem>>)
        %add3A_108 = arith.addi %mul3A_2, %add3A_35 : i32
        %mul3A_109 = arith.constant 128 : i32
        %mul3A_110 = arith.muli %add3A_108, %mul3A_109 : i32
        %dma_start3A_111 = arith.constant 0 : i32
        %dma_start3A_112 = arith.constant 0 : i32
        %dma_start3A_113 = arith.constant 0 : i32
        %dma_start3A_114 = tpu.memref_slice %arg6[%dma_start3A_111, %dma_start3A_112, %dma_start3A_113] : memref<3x128x128xf32, #tpu.memory_space<vmem>> -> memref<1x128x128xf32, #tpu.memory_space<vmem>>
        %dma_start3A_115 = tpu.memref_squeeze %dma_start3A_114 : memref<1x128x128xf32, #tpu.memory_space<vmem>> -> memref<128x128xf32, #tpu.memory_space<vmem>>
        %dma_start3A_116 = arith.constant 0 : i32
        %dma_start3A_117 = tpu.memref_slice %arg4[%mul3A_110, %dma_start3A_116] : memref<327680x128xf32, #tpu.memory_space<hbm>> -> memref<128x128xf32, #tpu.memory_space<hbm>>
        %dma_start3A_118 = arith.constant 0 : i32
        %dma_start3A_119 = tpu.memref_slice %arg4[%mul3A_110, %dma_start3A_118] : memref<327680x128xf32, #tpu.memory_space<hbm>> -> memref<128x128xf32, #tpu.memory_space<hbm>>
        %dma_start3A_120 = arith.constant 0 : i32
        %dma_start3A_121 = arith.constant 0 : i32
        %dma_start3A_122 = tpu.memref_slice %arg6[%dma_start3A_111, %dma_start3A_120, %dma_start3A_121] : memref<3x128x128xf32, #tpu.memory_space<vmem>> -> memref<1x128x128xf32, #tpu.memory_space<vmem>>
        %dma_start3A_123 = tpu.memref_squeeze %dma_start3A_122 : memref<1x128x128xf32, #tpu.memory_space<vmem>> -> memref<128x128xf32, #tpu.memory_space<vmem>>
        tpu.enqueue_dma source(%dma_start3A_123 : memref<128x128xf32, #tpu.memory_space<vmem>>) target(%dma_start3A_119 : memref<128x128xf32, #tpu.memory_space<hbm>>) target_semaphore(%arg10 : memref<!tpu.dma_semaphore, #tpu.memory_space<semaphore_mem>>)
      } else {
      }
      %mul3A_50 = arith.constant 3 : i32
      %mul3A_51 = arith.muli %scan3A_31, %mul3A_50 : i32
      %add3A_52 = arith.constant 1 : i32
      %add3A_53 = arith.addi %mul3A_51, %add3A_52 : i32
      %ge3A_54 = arith.constant 1 : i32
      %ge3A_55 = arith.cmpi sge, %add3A_53, %ge3A_54 : i32
      %le3A_56 = arith.constant 80 : i32
      %le3A_57 = arith.cmpi sle, %add3A_53, %le3A_56 : i32
      %and3A_58 = arith.andi %ge3A_55, %le3A_57 : i1
      %convert_element_type3A_59 = arith.extui %and3A_58 : i1 to i32
      %cond3A_60 = arith.constant 0 : i32
      %cond3A_61 = arith.cmpi ne, %convert_element_type3A_59, %cond3A_60 : i32
      scf.if %cond3A_61 {
        %dma_wait3A = arith.constant 0 : i32
        %dma_wait3A_98 = arith.constant 0 : i32
        %dma_wait3A_99 = arith.constant 0 : i32
        %dma_wait3A_100 = tpu.memref_slice %arg6[%dma_wait3A, %dma_wait3A_98, %dma_wait3A_99] : memref<3x128x128xf32, #tpu.memory_space<vmem>> -> memref<1x128x128xf32, #tpu.memory_space<vmem>>
        %dma_wait3A_101 = tpu.memref_squeeze %dma_wait3A_100 : memref<1x128x128xf32, #tpu.memory_space<vmem>> -> memref<128x128xf32, #tpu.memory_space<vmem>>
        %dma_wait3A_102 = arith.constant 0 : i32
        %dma_wait3A_103 = arith.constant 0 : i32
        %dma_wait3A_104 = tpu.memref_slice %arg4[%dma_wait3A_102, %dma_wait3A_103] : memref<327680x128xf32, #tpu.memory_space<hbm>> -> memref<128x128xf32, #tpu.memory_space<hbm>>
        %dma_wait3A_105 = arith.constant 0 : i32
        %dma_wait3A_106 = arith.constant 0 : i32
        %dma_wait3A_107 = tpu.memref_slice %arg4[%dma_wait3A_105, %dma_wait3A_106] : memref<327680x128xf32, #tpu.memory_space<hbm>> -> memref<128x128xf32, #tpu.memory_space<hbm>>
        %dma_wait3A_108 = arith.constant 0 : i32
        %dma_wait3A_109 = arith.constant 0 : i32
        %dma_wait3A_110 = tpu.memref_slice %arg6[%dma_wait3A, %dma_wait3A_108, %dma_wait3A_109] : memref<3x128x128xf32, #tpu.memory_space<vmem>> -> memref<1x128x128xf32, #tpu.memory_space<vmem>>
        %dma_wait3A_111 = tpu.memref_squeeze %dma_wait3A_110 : memref<1x128x128xf32, #tpu.memory_space<vmem>> -> memref<128x128xf32, #tpu.memory_space<vmem>>
        tpu.wait_dma2 semaphore(%arg10 : memref<!tpu.dma_semaphore, #tpu.memory_space<semaphore_mem>>) src(%dma_wait3A_111 : memref<128x128xf32, #tpu.memory_space<vmem>>) dst(%dma_wait3A_107 : memref<128x128xf32, #tpu.memory_space<hbm>>)
      } else {
      }
      %add3A_62 = arith.constant 2 : i32
      %add3A_63 = arith.addi %add3A_53, %add3A_62 : i32
      %lt3A_64 = arith.constant 80 : i32
      %lt3A_65 = arith.cmpi slt, %add3A_63, %lt3A_64 : i32
      %convert_element_type3A_66 = arith.extui %lt3A_65 : i1 to i32
      %cond3A_67 = arith.constant 0 : i32
      %cond3A_68 = arith.cmpi ne, %convert_element_type3A_66, %cond3A_67 : i32
      scf.if %cond3A_68 {
        %add3A_98 = arith.constant 2 : i32
        %add3A_99 = arith.addi %add3A_53, %add3A_98 : i32
        %dma_start3A_100 = arith.constant 0 : i32
        %dma_start3A_101 = arith.constant 0 : i32
        %dma_start3A_102 = arith.constant 0 : i32
        %dma_start3A_103 = tpu.memref_slice %arg6[%dma_start3A_100, %dma_start3A_101, %dma_start3A_102] : memref<3x128x128xf32, #tpu.memory_space<vmem>> -> memref<1x128x128xf32, #tpu.memory_space<vmem>>
        %dma_start3A_104 = tpu.memref_squeeze %dma_start3A_103 : memref<1x128x128xf32, #tpu.memory_space<vmem>> -> memref<128x128xf32, #tpu.memory_space<vmem>>
        %dma_start3A_105 = arith.constant 0 : i32
        %dma_start3A_106 = tpu.memref_slice %arg5[%add3A_99, %dma_start3A_105] : memref<80x128xi32, #tpu.memory_space<vmem>> -> memref<1x128xi32, #tpu.memory_space<vmem>>
        %dma_start3A_107 = tpu.memref_squeeze %dma_start3A_106 : memref<1x128xi32, #tpu.memory_space<vmem>> -> memref<128xi32, #tpu.memory_space<vmem>>
        %dma_start3A_108 = arith.constant 0 : i32
        %dma_start3A_109 = arith.constant 0 : i32
        %dma_start3A_110 = tpu.memref_slice %arg2[%dma_start3A_108, %dma_start3A_109] : memref<10000x128xf32, #tpu.memory_space<hbm>> -> memref<10000x128xf32, #tpu.memory_space<hbm>>
        tpu.enqueue_indirect_dma source(%dma_start3A_110 : memref<10000x128xf32, #tpu.memory_space<hbm>>) target(%dma_start3A_104 : memref<128x128xf32, #tpu.memory_space<vmem>>) offsets(%dma_start3A_107 : memref<128xi32, #tpu.memory_space<vmem>>) semaphore(%arg7 : memref<!tpu.dma_semaphore, #tpu.memory_space<semaphore_mem>>)
      } else {
      }
      %lt3A_69 = arith.constant 80 : i32
      %lt3A_70 = arith.cmpi slt, %add3A_53, %lt3A_69 : i32
      %convert_element_type3A_71 = arith.extui %lt3A_70 : i1 to i32
      %cond3A_72 = arith.constant 0 : i32
      %cond3A_73 = arith.cmpi ne, %convert_element_type3A_71, %cond3A_72 : i32
      scf.if %cond3A_73 {
        %dma_wait3A = arith.constant 1 : i32
        %dma_wait3A_98 = arith.constant 0 : i32
        %dma_wait3A_99 = arith.constant 0 : i32
        %dma_wait3A_100 = tpu.memref_slice %arg6[%dma_wait3A, %dma_wait3A_98, %dma_wait3A_99] : memref<3x128x128xf32, #tpu.memory_space<vmem>> -> memref<1x128x128xf32, #tpu.memory_space<vmem>>
        %dma_wait3A_101 = tpu.memref_squeeze %dma_wait3A_100 : memref<1x128x128xf32, #tpu.memory_space<vmem>> -> memref<128x128xf32, #tpu.memory_space<vmem>>
        %dma_wait3A_102 = arith.constant 0 : i32
        %dma_wait3A_103 = tpu.memref_slice %arg5[%add3A_53, %dma_wait3A_102] : memref<80x128xi32, #tpu.memory_space<vmem>> -> memref<1x128xi32, #tpu.memory_space<vmem>>
        %dma_wait3A_104 = tpu.memref_squeeze %dma_wait3A_103 : memref<1x128xi32, #tpu.memory_space<vmem>> -> memref<128xi32, #tpu.memory_space<vmem>>
        %dma_wait3A_105 = arith.constant 0 : i32
        %dma_wait3A_106 = arith.constant 0 : i32
        %dma_wait3A_107 = tpu.memref_slice %arg2[%dma_wait3A_105, %dma_wait3A_106] : memref<10000x128xf32, #tpu.memory_space<hbm>> -> memref<10000x128xf32, #tpu.memory_space<hbm>>
        tpu.wait_indirect_dma semaphore(%arg8 : memref<!tpu.dma_semaphore, #tpu.memory_space<semaphore_mem>>) src(%dma_wait3A_107 : memref<10000x128xf32, #tpu.memory_space<hbm>>) dst(%dma_wait3A_101 : memref<128x128xf32, #tpu.memory_space<vmem>>)
        %add3A_108 = arith.addi %mul3A_2, %add3A_53 : i32
        %mul3A_109 = arith.constant 128 : i32
        %mul3A_110 = arith.muli %add3A_108, %mul3A_109 : i32
        %dma_start3A_111 = arith.constant 1 : i32
        %dma_start3A_112 = arith.constant 0 : i32
        %dma_start3A_113 = arith.constant 0 : i32
        %dma_start3A_114 = tpu.memref_slice %arg6[%dma_start3A_111, %dma_start3A_112, %dma_start3A_113] : memref<3x128x128xf32, #tpu.memory_space<vmem>> -> memref<1x128x128xf32, #tpu.memory_space<vmem>>
        %dma_start3A_115 = tpu.memref_squeeze %dma_start3A_114 : memref<1x128x128xf32, #tpu.memory_space<vmem>> -> memref<128x128xf32, #tpu.memory_space<vmem>>
        %dma_start3A_116 = arith.constant 0 : i32
        %dma_start3A_117 = tpu.memref_slice %arg4[%mul3A_110, %dma_start3A_116] : memref<327680x128xf32, #tpu.memory_space<hbm>> -> memref<128x128xf32, #tpu.memory_space<hbm>>
        %dma_start3A_118 = arith.constant 0 : i32
        %dma_start3A_119 = tpu.memref_slice %arg4[%mul3A_110, %dma_start3A_118] : memref<327680x128xf32, #tpu.memory_space<hbm>> -> memref<128x128xf32, #tpu.memory_space<hbm>>
        %dma_start3A_120 = arith.constant 0 : i32
        %dma_start3A_121 = arith.constant 0 : i32
        %dma_start3A_122 = tpu.memref_slice %arg6[%dma_start3A_111, %dma_start3A_120, %dma_start3A_121] : memref<3x128x128xf32, #tpu.memory_space<vmem>> -> memref<1x128x128xf32, #tpu.memory_space<vmem>>
        %dma_start3A_123 = tpu.memref_squeeze %dma_start3A_122 : memref<1x128x128xf32, #tpu.memory_space<vmem>> -> memref<128x128xf32, #tpu.memory_space<vmem>>
        tpu.enqueue_dma source(%dma_start3A_123 : memref<128x128xf32, #tpu.memory_space<vmem>>) target(%dma_start3A_119 : memref<128x128xf32, #tpu.memory_space<hbm>>) target_semaphore(%arg11 : memref<!tpu.dma_semaphore, #tpu.memory_space<semaphore_mem>>)
      } else {
      }
      %mul3A_74 = arith.constant 3 : i32
      %mul3A_75 = arith.muli %scan3A_31, %mul3A_74 : i32
      %add3A_76 = arith.constant 2 : i32
      %add3A_77 = arith.addi %mul3A_75, %add3A_76 : i32
      %ge3A_78 = arith.constant 1 : i32
      %ge3A_79 = arith.cmpi sge, %add3A_77, %ge3A_78 : i32
      %le3A_80 = arith.constant 80 : i32
      %le3A_81 = arith.cmpi sle, %add3A_77, %le3A_80 : i32
      %and3A_82 = arith.andi %ge3A_79, %le3A_81 : i1
      %convert_element_type3A_83 = arith.extui %and3A_82 : i1 to i32
      %cond3A_84 = arith.constant 0 : i32
      %cond3A_85 = arith.cmpi ne, %convert_element_type3A_83, %cond3A_84 : i32
      scf.if %cond3A_85 {
        %dma_wait3A = arith.constant 1 : i32
        %dma_wait3A_98 = arith.constant 0 : i32
        %dma_wait3A_99 = arith.constant 0 : i32
        %dma_wait3A_100 = tpu.memref_slice %arg6[%dma_wait3A, %dma_wait3A_98, %dma_wait3A_99] : memref<3x128x128xf32, #tpu.memory_space<vmem>> -> memref<1x128x128xf32, #tpu.memory_space<vmem>>
        %dma_wait3A_101 = tpu.memref_squeeze %dma_wait3A_100 : memref<1x128x128xf32, #tpu.memory_space<vmem>> -> memref<128x128xf32, #tpu.memory_space<vmem>>
        %dma_wait3A_102 = arith.constant 0 : i32
        %dma_wait3A_103 = arith.constant 0 : i32
        %dma_wait3A_104 = tpu.memref_slice %arg4[%dma_wait3A_102, %dma_wait3A_103] : memref<327680x128xf32, #tpu.memory_space<hbm>> -> memref<128x128xf32, #tpu.memory_space<hbm>>
        %dma_wait3A_105 = arith.constant 0 : i32
        %dma_wait3A_106 = arith.constant 0 : i32
        %dma_wait3A_107 = tpu.memref_slice %arg4[%dma_wait3A_105, %dma_wait3A_106] : memref<327680x128xf32, #tpu.memory_space<hbm>> -> memref<128x128xf32, #tpu.memory_space<hbm>>
        %dma_wait3A_108 = arith.constant 0 : i32
        %dma_wait3A_109 = arith.constant 0 : i32
        %dma_wait3A_110 = tpu.memref_slice %arg6[%dma_wait3A, %dma_wait3A_108, %dma_wait3A_109] : memref<3x128x128xf32, #tpu.memory_space<vmem>> -> memref<1x128x128xf32, #tpu.memory_space<vmem>>
        %dma_wait3A_111 = tpu.memref_squeeze %dma_wait3A_110 : memref<1x128x128xf32, #tpu.memory_space<vmem>> -> memref<128x128xf32, #tpu.memory_space<vmem>>
        tpu.wait_dma2 semaphore(%arg11 : memref<!tpu.dma_semaphore, #tpu.memory_space<semaphore_mem>>) src(%dma_wait3A_111 : memref<128x128xf32, #tpu.memory_space<vmem>>) dst(%dma_wait3A_107 : memref<128x128xf32, #tpu.memory_space<hbm>>)
      } else {
      }
      %add3A_86 = arith.constant 2 : i32
      %add3A_87 = arith.addi %add3A_77, %add3A_86 : i32
      %lt3A_88 = arith.constant 80 : i32
      %lt3A_89 = arith.cmpi slt, %add3A_87, %lt3A_88 : i32
      %convert_element_type3A_90 = arith.extui %lt3A_89 : i1 to i32
      %cond3A_91 = arith.constant 0 : i32
      %cond3A_92 = arith.cmpi ne, %convert_element_type3A_90, %cond3A_91 : i32
      scf.if %cond3A_92 {
        %add3A_98 = arith.constant 2 : i32
        %add3A_99 = arith.addi %add3A_77, %add3A_98 : i32
        %dma_start3A_100 = arith.constant 1 : i32
        %dma_start3A_101 = arith.constant 0 : i32
        %dma_start3A_102 = arith.constant 0 : i32
        %dma_start3A_103 = tpu.memref_slice %arg6[%dma_start3A_100, %dma_start3A_101, %dma_start3A_102] : memref<3x128x128xf32, #tpu.memory_space<vmem>> -> memref<1x128x128xf32, #tpu.memory_space<vmem>>
        %dma_start3A_104 = tpu.memref_squeeze %dma_start3A_103 : memref<1x128x128xf32, #tpu.memory_space<vmem>> -> memref<128x128xf32, #tpu.memory_space<vmem>>
        %dma_start3A_105 = arith.constant 0 : i32
        %dma_start3A_106 = tpu.memref_slice %arg5[%add3A_99, %dma_start3A_105] : memref<80x128xi32, #tpu.memory_space<vmem>> -> memref<1x128xi32, #tpu.memory_space<vmem>>
        %dma_start3A_107 = tpu.memref_squeeze %dma_start3A_106 : memref<1x128xi32, #tpu.memory_space<vmem>> -> memref<128xi32, #tpu.memory_space<vmem>>
        %dma_start3A_108 = arith.constant 0 : i32
        %dma_start3A_109 = arith.constant 0 : i32
        %dma_start3A_110 = tpu.memref_slice %arg2[%dma_start3A_108, %dma_start3A_109] : memref<10000x128xf32, #tpu.memory_space<hbm>> -> memref<10000x128xf32, #tpu.memory_space<hbm>>
        tpu.enqueue_indirect_dma source(%dma_start3A_110 : memref<10000x128xf32, #tpu.memory_space<hbm>>) target(%dma_start3A_104 : memref<128x128xf32, #tpu.memory_space<vmem>>) offsets(%dma_start3A_107 : memref<128xi32, #tpu.memory_space<vmem>>) semaphore(%arg8 : memref<!tpu.dma_semaphore, #tpu.memory_space<semaphore_mem>>)
      } else {
      }
      %lt3A_93 = arith.constant 80 : i32
      %lt3A_94 = arith.cmpi slt, %add3A_77, %lt3A_93 : i32
      %convert_element_type3A_95 = arith.extui %lt3A_94 : i1 to i32
      %cond3A_96 = arith.constant 0 : i32
      %cond3A_97 = arith.cmpi ne, %convert_element_type3A_95, %cond3A_96 : i32
      scf.if %cond3A_97 {
        %dma_wait3A = arith.constant 2 : i32
        %dma_wait3A_98 = arith.constant 0 : i32
        %dma_wait3A_99 = arith.constant 0 : i32
        %dma_wait3A_100 = tpu.memref_slice %arg6[%dma_wait3A, %dma_wait3A_98, %dma_wait3A_99] : memref<3x128x128xf32, #tpu.memory_space<vmem>> -> memref<1x128x128xf32, #tpu.memory_space<vmem>>
        %dma_wait3A_101 = tpu.memref_squeeze %dma_wait3A_100 : memref<1x128x128xf32, #tpu.memory_space<vmem>> -> memref<128x128xf32, #tpu.memory_space<vmem>>
        %dma_wait3A_102 = arith.constant 0 : i32
        %dma_wait3A_103 = tpu.memref_slice %arg5[%add3A_77, %dma_wait3A_102] : memref<80x128xi32, #tpu.memory_space<vmem>> -> memref<1x128xi32, #tpu.memory_space<vmem>>
        %dma_wait3A_104 = tpu.memref_squeeze %dma_wait3A_103 : memref<1x128xi32, #tpu.memory_space<vmem>> -> memref<128xi32, #tpu.memory_space<vmem>>
        %dma_wait3A_105 = arith.constant 0 : i32
        %dma_wait3A_106 = arith.constant 0 : i32
        %dma_wait3A_107 = tpu.memref_slice %arg2[%dma_wait3A_105, %dma_wait3A_106] : memref<10000x128xf32, #tpu.memory_space<hbm>> -> memref<10000x128xf32, #tpu.memory_space<hbm>>
        tpu.wait_indirect_dma semaphore(%arg9 : memref<!tpu.dma_semaphore, #tpu.memory_space<semaphore_mem>>) src(%dma_wait3A_107 : memref<10000x128xf32, #tpu.memory_space<hbm>>) dst(%dma_wait3A_101 : memref<128x128xf32, #tpu.memory_space<vmem>>)
        %add3A_108 = arith.addi %mul3A_2, %add3A_77 : i32
        %mul3A_109 = arith.constant 128 : i32
        %mul3A_110 = arith.muli %add3A_108, %mul3A_109 : i32
        %dma_start3A_111 = arith.constant 2 : i32
        %dma_start3A_112 = arith.constant 0 : i32
        %dma_start3A_113 = arith.constant 0 : i32
        %dma_start3A_114 = tpu.memref_slice %arg6[%dma_start3A_111, %dma_start3A_112, %dma_start3A_113] : memref<3x128x128xf32, #tpu.memory_space<vmem>> -> memref<1x128x128xf32, #tpu.memory_space<vmem>>
        %dma_start3A_115 = tpu.memref_squeeze %dma_start3A_114 : memref<1x128x128xf32, #tpu.memory_space<vmem>> -> memref<128x128xf32, #tpu.memory_space<vmem>>
        %dma_start3A_116 = arith.constant 0 : i32
        %dma_start3A_117 = tpu.memref_slice %arg4[%mul3A_110, %dma_start3A_116] : memref<327680x128xf32, #tpu.memory_space<hbm>> -> memref<128x128xf32, #tpu.memory_space<hbm>>
        %dma_start3A_118 = arith.constant 0 : i32
        %dma_start3A_119 = tpu.memref_slice %arg4[%mul3A_110, %dma_start3A_118] : memref<327680x128xf32, #tpu.memory_space<hbm>> -> memref<128x128xf32, #tpu.memory_space<hbm>>
        %dma_start3A_120 = arith.constant 0 : i32
        %dma_start3A_121 = arith.constant 0 : i32
        %dma_start3A_122 = tpu.memref_slice %arg6[%dma_start3A_111, %dma_start3A_120, %dma_start3A_121] : memref<3x128x128xf32, #tpu.memory_space<vmem>> -> memref<1x128x128xf32, #tpu.memory_space<vmem>>
        %dma_start3A_123 = tpu.memref_squeeze %dma_start3A_122 : memref<1x128x128xf32, #tpu.memory_space<vmem>> -> memref<128x128xf32, #tpu.memory_space<vmem>>
        tpu.enqueue_dma source(%dma_start3A_123 : memref<128x128xf32, #tpu.memory_space<vmem>>) target(%dma_start3A_119 : memref<128x128xf32, #tpu.memory_space<hbm>>) target_semaphore(%arg12 : memref<!tpu.dma_semaphore, #tpu.memory_space<semaphore_mem>>)
      } else {
      }
    }
    %scan3A_30 = arith.constant 27 : i32
    return
  }
}

module attributes {stable_mosaic.version = 14 : i64} {
  func.func @body(%arg0: i32, %arg1: memref<2560x128xf32, #tpu.memory_space<vmem>>, %arg2: memref<1x80x32x8xf32, #tpu.memory_space<vmem>>, %arg3: memref<1x80x32x16xf32, #tpu.memory_space<vmem>>, %arg4: memref<80x16x128xf32, #tpu.memory_space<vmem>>) attributes {dimension_semantics = [#tpu.dimension_semantics<arbitrary>], iteration_bounds = array<i64: 125>, scalar_prefetch = 0 : i64, scratch_operands = 0 : i64, tpu.core_type = #tpu.core_type<tc>, window_params = [{transform_indices = @transform_0, window_bounds = array<i64: 2560, 128>}, {transform_indices = @transform_1, window_bounds = array<i64: 1, 80, 32, 8>}, {transform_indices = @transform_2, window_bounds = array<i64: 1, 80, 32, 16>}, {transform_indices = @transform_3, window_bounds = array<i64: 80, 16, 128>}]} {
    %iota3A = tpu.iota {dimensions = array<i32: 0>} : vector<8x128xi32>
    %iota3A_0 = tpu.iota {dimensions = array<i32: 1>} : vector<8x128xi32>
    %jit3A = arith.constant 16 : i32
    %div3A = vector.broadcast %jit3A : i32 to vector<8x128xi32>
    %div3A_1 = arith.divsi %iota3A_0, %div3A : vector<8x128xi32>
    %sign3A = arith.constant 0 : i32
    %sign3A_2 = vector.broadcast %sign3A : i32 to vector<8x128xi32>
    %sign3A_3 = arith.cmpi sgt, %iota3A_0, %sign3A_2 : vector<8x128xi32>
    %sign3A_4 = arith.extui %sign3A_3 : vector<8x128xi1> to vector<8x128xi32>
    %sign3A_5 = arith.constant 0 : i32
    %sign3A_6 = vector.broadcast %sign3A_5 : i32 to vector<8x128xi32>
    %sign3A_7 = arith.cmpi slt, %iota3A_0, %sign3A_6 : vector<8x128xi32>
    %sign3A_8 = arith.extui %sign3A_7 : vector<8x128xi1> to vector<8x128xi32>
    %sign3A_9 = arith.subi %sign3A_4, %sign3A_8 : vector<8x128xi32>
    %sign3A_10 = arith.constant 0 : i32
    %sign3A_11 = arith.cmpi sgt, %jit3A, %sign3A_10 : i32
    %sign3A_12 = arith.extui %sign3A_11 : i1 to i32
    %sign3A_13 = arith.constant 0 : i32
    %sign3A_14 = arith.cmpi slt, %jit3A, %sign3A_13 : i32
    %sign3A_15 = arith.extui %sign3A_14 : i1 to i32
    %sign3A_16 = arith.subi %sign3A_12, %sign3A_15 : i32
    %ne3A = vector.broadcast %sign3A_16 : i32 to vector<8x128xi32>
    %ne3A_17 = arith.cmpi ne, %sign3A_9, %ne3A : vector<8x128xi32>
    %rem3A = vector.broadcast %jit3A : i32 to vector<8x128xi32>
    %rem3A_18 = arith.remsi %iota3A_0, %rem3A : vector<8x128xi32>
    %ne3A_19 = arith.constant 0 : i32
    %ne3A_20 = vector.broadcast %ne3A_19 : i32 to vector<8x128xi32>
    %ne3A_21 = arith.cmpi ne, %rem3A_18, %ne3A_20 : vector<8x128xi32>
    %and3A = arith.andi %ne3A_17, %ne3A_21 : vector<8x128xi1>
    %sub3A = arith.constant 1 : i32
    %sub3A_22 = vector.broadcast %sub3A : i32 to vector<8x128xi32>
    %sub3A_23 = arith.subi %div3A_1, %sub3A_22 : vector<8x128xi32>
    %select_n3A = arith.select %and3A, %sub3A_23, %div3A_1 : vector<8x128xi1>, vector<8x128xi32>
    %eq3A = arith.cmpi eq, %select_n3A, %iota3A : vector<8x128xi32>
    %convert_element_type3A = arith.extui %eq3A : vector<8x128xi1> to vector<8x128xi32>
    %convert_element_type3A_24 = arith.sitofp %convert_element_type3A : vector<8x128xi32> to vector<8x128xf32>
    %get3A = arith.constant 0 : index
    %get3A_25 = arith.constant 0 : index
    %get3A_26 = arith.constant 0 : index
    %get3A_27 = arith.constant 0 : index
    %get3A_28 = vector.load %arg2[%get3A, %get3A_25, %get3A_26, %get3A_27] : memref<1x80x32x8xf32, #tpu.memory_space<vmem>>, vector<1x80x32x8xf32>
    %reshape3A = vector.shape_cast %get3A_28 : vector<1x80x32x8xf32> to vector<2560x8xf32>
    %dot_general3A = arith.constant dense<0.000000e+00> : vector<2560x128xf32>
    %dot_general3A_29 = tpu.matmul %reshape3A, %convert_element_type3A_24, %dot_general3A {dimension_numbers = #tpu.dot_dimension_numbers<[1], [0], [0], [1], [0, 0, 1, 1], [], []>, transpose_lhs_hint = false} : vector<2560x8xf32>, vector<8x128xf32>, vector<2560x128xf32> -> vector<2560x128xf32>
    %get3A_30 = arith.constant 0 : index
    %get3A_31 = arith.constant 0 : index
    %get3A_32 = vector.load %arg1[%get3A_30, %get3A_31] : memref<2560x128xf32, #tpu.memory_space<vmem>>, vector<2560x128xf32>
    %mul3A = arith.mulf %get3A_32, %dot_general3A_29 : vector<2560x128xf32>
    %iota3A_33 = tpu.iota {dimensions = array<i32: 0>} : vector<16x128xi32>
    %iota3A_34 = tpu.iota {dimensions = array<i32: 1>} : vector<16x128xi32>
    %jit3A_35 = arith.constant 16 : i32
    %eq3A_36 = arith.constant 0 : i32
    %eq3A_37 = arith.cmpi eq, %jit3A_35, %eq3A_36 : i32
    %jit3A_38 = arith.constant 1 : i32
    %select_n3A_39 = arith.select %eq3A_37, %jit3A_38, %jit3A_35 : i32
    %rem3A_40 = vector.broadcast %select_n3A_39 : i32 to vector<16x128xi32>
    %rem3A_41 = arith.remsi %iota3A_34, %rem3A_40 : vector<16x128xi32>
    %ne3A_42 = arith.constant 0 : i32
    %ne3A_43 = vector.broadcast %ne3A_42 : i32 to vector<16x128xi32>
    %ne3A_44 = arith.cmpi ne, %rem3A_41, %ne3A_43 : vector<16x128xi32>
    %lt3A = arith.constant 0 : i32
    %lt3A_45 = vector.broadcast %lt3A : i32 to vector<16x128xi32>
    %lt3A_46 = arith.cmpi slt, %rem3A_41, %lt3A_45 : vector<16x128xi32>
    %lt3A_47 = arith.constant 0 : i32
    %lt3A_48 = arith.cmpi slt, %select_n3A_39, %lt3A_47 : i32
    %ne3A_49 = vector.broadcast %lt3A_48 : i1 to vector<16x128xi1>
    %ne3A_50 = vector.broadcast %ne3A_49 : vector<16x128xi1> to vector<16x128xi1>
    %ne3A_51 = arith.xori %lt3A_46, %ne3A_50 : vector<16x128xi1>
    %and3A_52 = arith.andi %ne3A_51, %ne3A_44 : vector<16x128xi1>
    %add3A = vector.broadcast %select_n3A_39 : i32 to vector<16x128xi32>
    %add3A_53 = arith.addi %rem3A_41, %add3A : vector<16x128xi32>
    %select_n3A_54 = arith.select %and3A_52, %add3A_53, %rem3A_41 : vector<16x128xi1>, vector<16x128xi32>
    %eq3A_55 = arith.cmpi eq, %iota3A_33, %select_n3A_54 : vector<16x128xi32>
    %convert_element_type3A_56 = arith.extui %eq3A_55 : vector<16x128xi1> to vector<16x128xi32>
    %convert_element_type3A_57 = arith.sitofp %convert_element_type3A_56 : vector<16x128xi32> to vector<16x128xf32>
    %iota3A_58 = tpu.iota {dimensions = array<i32: 0>} : vector<256x128xi32>
    %iota3A_59 = tpu.iota {dimensions = array<i32: 1>} : vector<256x128xi32>
    %jit3A_60 = arith.constant 32 : i32
    %div3A_61 = vector.broadcast %jit3A_60 : i32 to vector<256x128xi32>
    %div3A_62 = arith.divsi %iota3A_58, %div3A_61 : vector<256x128xi32>
    %sign3A_63 = arith.constant 0 : i32
    %sign3A_64 = vector.broadcast %sign3A_63 : i32 to vector<256x128xi32>
    %sign3A_65 = arith.cmpi sgt, %iota3A_58, %sign3A_64 : vector<256x128xi32>
    %sign3A_66 = arith.extui %sign3A_65 : vector<256x128xi1> to vector<256x128xi32>
    %sign3A_67 = arith.constant 0 : i32
    %sign3A_68 = vector.broadcast %sign3A_67 : i32 to vector<256x128xi32>
    %sign3A_69 = arith.cmpi slt, %iota3A_58, %sign3A_68 : vector<256x128xi32>
    %sign3A_70 = arith.extui %sign3A_69 : vector<256x128xi1> to vector<256x128xi32>
    %sign3A_71 = arith.subi %sign3A_66, %sign3A_70 : vector<256x128xi32>
    %sign3A_72 = arith.constant 0 : i32
    %sign3A_73 = arith.cmpi sgt, %jit3A_60, %sign3A_72 : i32
    %sign3A_74 = arith.extui %sign3A_73 : i1 to i32
    %sign3A_75 = arith.constant 0 : i32
    %sign3A_76 = arith.cmpi slt, %jit3A_60, %sign3A_75 : i32
    %sign3A_77 = arith.extui %sign3A_76 : i1 to i32
    %sign3A_78 = arith.subi %sign3A_74, %sign3A_77 : i32
    %ne3A_79 = vector.broadcast %sign3A_78 : i32 to vector<256x128xi32>
    %ne3A_80 = arith.cmpi ne, %sign3A_71, %ne3A_79 : vector<256x128xi32>
    %rem3A_81 = vector.broadcast %jit3A_60 : i32 to vector<256x128xi32>
    %rem3A_82 = arith.remsi %iota3A_58, %rem3A_81 : vector<256x128xi32>
    %ne3A_83 = arith.constant 0 : i32
    %ne3A_84 = vector.broadcast %ne3A_83 : i32 to vector<256x128xi32>
    %ne3A_85 = arith.cmpi ne, %rem3A_82, %ne3A_84 : vector<256x128xi32>
    %and3A_86 = arith.andi %ne3A_80, %ne3A_85 : vector<256x128xi1>
    %sub3A_87 = arith.constant 1 : i32
    %sub3A_88 = vector.broadcast %sub3A_87 : i32 to vector<256x128xi32>
    %sub3A_89 = arith.subi %div3A_62, %sub3A_88 : vector<256x128xi32>
    %select_n3A_90 = arith.select %and3A_86, %sub3A_89, %div3A_62 : vector<256x128xi1>, vector<256x128xi32>
    %jit3A_91 = arith.constant 16 : i32
    %div3A_92 = vector.broadcast %jit3A_91 : i32 to vector<256x128xi32>
    %div3A_93 = arith.divsi %iota3A_59, %div3A_92 : vector<256x128xi32>
    %sign3A_94 = arith.constant 0 : i32
    %sign3A_95 = vector.broadcast %sign3A_94 : i32 to vector<256x128xi32>
    %sign3A_96 = arith.cmpi sgt, %iota3A_59, %sign3A_95 : vector<256x128xi32>
    %sign3A_97 = arith.extui %sign3A_96 : vector<256x128xi1> to vector<256x128xi32>
    %sign3A_98 = arith.constant 0 : i32
    %sign3A_99 = vector.broadcast %sign3A_98 : i32 to vector<256x128xi32>
    %sign3A_100 = arith.cmpi slt, %iota3A_59, %sign3A_99 : vector<256x128xi32>
    %sign3A_101 = arith.extui %sign3A_100 : vector<256x128xi1> to vector<256x128xi32>
    %sign3A_102 = arith.subi %sign3A_97, %sign3A_101 : vector<256x128xi32>
    %sign3A_103 = arith.constant 0 : i32
    %sign3A_104 = arith.cmpi sgt, %jit3A_91, %sign3A_103 : i32
    %sign3A_105 = arith.extui %sign3A_104 : i1 to i32
    %sign3A_106 = arith.constant 0 : i32
    %sign3A_107 = arith.cmpi slt, %jit3A_91, %sign3A_106 : i32
    %sign3A_108 = arith.extui %sign3A_107 : i1 to i32
    %sign3A_109 = arith.subi %sign3A_105, %sign3A_108 : i32
    %ne3A_110 = vector.broadcast %sign3A_109 : i32 to vector<256x128xi32>
    %ne3A_111 = arith.cmpi ne, %sign3A_102, %ne3A_110 : vector<256x128xi32>
    %rem3A_112 = vector.broadcast %jit3A_91 : i32 to vector<256x128xi32>
    %rem3A_113 = arith.remsi %iota3A_59, %rem3A_112 : vector<256x128xi32>
    %ne3A_114 = arith.constant 0 : i32
    %ne3A_115 = vector.broadcast %ne3A_114 : i32 to vector<256x128xi32>
    %ne3A_116 = arith.cmpi ne, %rem3A_113, %ne3A_115 : vector<256x128xi32>
    %and3A_117 = arith.andi %ne3A_111, %ne3A_116 : vector<256x128xi1>
    %sub3A_118 = arith.constant 1 : i32
    %sub3A_119 = vector.broadcast %sub3A_118 : i32 to vector<256x128xi32>
    %sub3A_120 = arith.subi %div3A_93, %sub3A_119 : vector<256x128xi32>
    %select_n3A_121 = arith.select %and3A_117, %sub3A_120, %div3A_93 : vector<256x128xi1>, vector<256x128xi32>
    %eq3A_122 = arith.cmpi eq, %select_n3A_90, %select_n3A_121 : vector<256x128xi32>
    %convert_element_type3A_123 = arith.extui %eq3A_122 : vector<256x128xi1> to vector<256x128xi32>
    %convert_element_type3A_124 = arith.sitofp %convert_element_type3A_123 : vector<256x128xi32> to vector<256x128xf32>
    %get3A_125 = arith.constant 0 : index
    %get3A_126 = arith.constant 0 : index
    %get3A_127 = arith.constant 0 : index
    %get3A_128 = arith.constant 0 : index
    %get3A_129 = vector.load %arg3[%get3A_125, %get3A_126, %get3A_127, %get3A_128] : memref<1x80x32x16xf32, #tpu.memory_space<vmem>>, vector<1x80x32x16xf32>
    %reshape3A_130 = vector.shape_cast %get3A_129 : vector<1x80x32x16xf32> to vector<2560x16xf32>
    %slice3A = vector.extract_strided_slice %mul3A {offsets = [0, 0], sizes = [256, 128], strides = [1, 1]} : vector<2560x128xf32> to vector<256x128xf32>
    %slice3A_131 = vector.extract_strided_slice %reshape3A_130 {offsets = [0, 0], sizes = [256, 16], strides = [1, 1]} : vector<2560x16xf32> to vector<256x16xf32>
    %dot_general3A_132 = arith.constant dense<0.000000e+00> : vector<256x128xf32>
    %dot_general3A_133 = tpu.matmul %slice3A_131, %convert_element_type3A_57, %dot_general3A_132 {dimension_numbers = #tpu.dot_dimension_numbers<[1], [0], [0], [1], [0, 0, 1, 1], [], []>, transpose_lhs_hint = false} : vector<256x16xf32>, vector<16x128xf32>, vector<256x128xf32> -> vector<256x128xf32>
    %mul3A_134 = arith.mulf %dot_general3A_133, %convert_element_type3A_124 : vector<256x128xf32>
    %dot_general3A_135 = arith.constant dense<0.000000e+00> : vector<128x128xf32>
    %dot_general3A_136 = tpu.matmul %mul3A_134, %slice3A, %dot_general3A_135 {dimension_numbers = #tpu.dot_dimension_numbers<[0], [0], [1], [1], [0, 1, 1, 1], [], []>, transpose_lhs_hint = false} : vector<256x128xf32>, vector<256x128xf32>, vector<128x128xf32> -> vector<128x128xf32>
    %reshape3A_137 = vector.shape_cast %dot_general3A_136 : vector<128x128xf32> to vector<8x16x128xf32>
    %swap3A = arith.constant 0 : index
    %swap3A_138 = arith.constant 0 : index
    %swap3A_139 = arith.constant 0 : index
    %swap3A_140 = vector.load %arg4[%swap3A, %swap3A_138, %swap3A_139] : memref<80x16x128xf32, #tpu.memory_space<vmem>>, vector<8x16x128xf32>
    tpu.vector_store %arg4[%swap3A, %swap3A_138, %swap3A_139], %reshape3A_137 {strides = array<i32>} : memref<80x16x128xf32, #tpu.memory_space<vmem>>, vector<8x16x128xf32>,
    %slice3A_141 = vector.extract_strided_slice %mul3A {offsets = [256, 0], sizes = [256, 128], strides = [1, 1]} : vector<2560x128xf32> to vector<256x128xf32>
    %slice3A_142 = vector.extract_strided_slice %reshape3A_130 {offsets = [256, 0], sizes = [256, 16], strides = [1, 1]} : vector<2560x16xf32> to vector<256x16xf32>
    %dot_general3A_143 = arith.constant dense<0.000000e+00> : vector<256x128xf32>
    %dot_general3A_144 = tpu.matmul %slice3A_142, %convert_element_type3A_57, %dot_general3A_143 {dimension_numbers = #tpu.dot_dimension_numbers<[1], [0], [0], [1], [0, 0, 1, 1], [], []>, transpose_lhs_hint = false} : vector<256x16xf32>, vector<16x128xf32>, vector<256x128xf32> -> vector<256x128xf32>
    %mul3A_145 = arith.mulf %dot_general3A_144, %convert_element_type3A_124 : vector<256x128xf32>
    %dot_general3A_146 = arith.constant dense<0.000000e+00> : vector<128x128xf32>
    %dot_general3A_147 = tpu.matmul %mul3A_145, %slice3A_141, %dot_general3A_146 {dimension_numbers = #tpu.dot_dimension_numbers<[0], [0], [1], [1], [0, 1, 1, 1], [], []>, transpose_lhs_hint = false} : vector<256x128xf32>, vector<256x128xf32>, vector<128x128xf32> -> vector<128x128xf32>
    %reshape3A_148 = vector.shape_cast %dot_general3A_147 : vector<128x128xf32> to vector<8x16x128xf32>
    %swap3A_149 = arith.constant 8 : index
    %swap3A_150 = arith.constant 0 : index
    %swap3A_151 = arith.constant 0 : index
    %swap3A_152 = vector.load %arg4[%swap3A_149, %swap3A_150, %swap3A_151] : memref<80x16x128xf32, #tpu.memory_space<vmem>>, vector<8x16x128xf32>
    tpu.vector_store %arg4[%swap3A_149, %swap3A_150, %swap3A_151], %reshape3A_148 {strides = array<i32>} : memref<80x16x128xf32, #tpu.memory_space<vmem>>, vector<8x16x128xf32>,
    %slice3A_153 = vector.extract_strided_slice %mul3A {offsets = [512, 0], sizes = [256, 128], strides = [1, 1]} : vector<2560x128xf32> to vector<256x128xf32>
    %slice3A_154 = vector.extract_strided_slice %reshape3A_130 {offsets = [512, 0], sizes = [256, 16], strides = [1, 1]} : vector<2560x16xf32> to vector<256x16xf32>
    %dot_general3A_155 = arith.constant dense<0.000000e+00> : vector<256x128xf32>
    %dot_general3A_156 = tpu.matmul %slice3A_154, %convert_element_type3A_57, %dot_general3A_155 {dimension_numbers = #tpu.dot_dimension_numbers<[1], [0], [0], [1], [0, 0, 1, 1], [], []>, transpose_lhs_hint = false} : vector<256x16xf32>, vector<16x128xf32>, vector<256x128xf32> -> vector<256x128xf32>
    %mul3A_157 = arith.mulf %dot_general3A_156, %convert_element_type3A_124 : vector<256x128xf32>
    %dot_general3A_158 = arith.constant dense<0.000000e+00> : vector<128x128xf32>
    %dot_general3A_159 = tpu.matmul %mul3A_157, %slice3A_153, %dot_general3A_158 {dimension_numbers = #tpu.dot_dimension_numbers<[0], [0], [1], [1], [0, 1, 1, 1], [], []>, transpose_lhs_hint = false} : vector<256x128xf32>, vector<256x128xf32>, vector<128x128xf32> -> vector<128x128xf32>
    %reshape3A_160 = vector.shape_cast %dot_general3A_159 : vector<128x128xf32> to vector<8x16x128xf32>
    %swap3A_161 = arith.constant 16 : index
    %swap3A_162 = arith.constant 0 : index
    %swap3A_163 = arith.constant 0 : index
    %swap3A_164 = vector.load %arg4[%swap3A_161, %swap3A_162, %swap3A_163] : memref<80x16x128xf32, #tpu.memory_space<vmem>>, vector<8x16x128xf32>
    tpu.vector_store %arg4[%swap3A_161, %swap3A_162, %swap3A_163], %reshape3A_160 {strides = array<i32>} : memref<80x16x128xf32, #tpu.memory_space<vmem>>, vector<8x16x128xf32>,
    %slice3A_165 = vector.extract_strided_slice %mul3A {offsets = [768, 0], sizes = [256, 128], strides = [1, 1]} : vector<2560x128xf32> to vector<256x128xf32>
    %slice3A_166 = vector.extract_strided_slice %reshape3A_130 {offsets = [768, 0], sizes = [256, 16], strides = [1, 1]} : vector<2560x16xf32> to vector<256x16xf32>
    %dot_general3A_167 = arith.constant dense<0.000000e+00> : vector<256x128xf32>
    %dot_general3A_168 = tpu.matmul %slice3A_166, %convert_element_type3A_57, %dot_general3A_167 {dimension_numbers = #tpu.dot_dimension_numbers<[1], [0], [0], [1], [0, 0, 1, 1], [], []>, transpose_lhs_hint = false} : vector<256x16xf32>, vector<16x128xf32>, vector<256x128xf32> -> vector<256x128xf32>
    %mul3A_169 = arith.mulf %dot_general3A_168, %convert_element_type3A_124 : vector<256x128xf32>
    %dot_general3A_170 = arith.constant dense<0.000000e+00> : vector<128x128xf32>
    %dot_general3A_171 = tpu.matmul %mul3A_169, %slice3A_165, %dot_general3A_170 {dimension_numbers = #tpu.dot_dimension_numbers<[0], [0], [1], [1], [0, 1, 1, 1], [], []>, transpose_lhs_hint = false} : vector<256x128xf32>, vector<256x128xf32>, vector<128x128xf32> -> vector<128x128xf32>
    %reshape3A_172 = vector.shape_cast %dot_general3A_171 : vector<128x128xf32> to vector<8x16x128xf32>
    %swap3A_173 = arith.constant 24 : index
    %swap3A_174 = arith.constant 0 : index
    %swap3A_175 = arith.constant 0 : index
    %swap3A_176 = vector.load %arg4[%swap3A_173, %swap3A_174, %swap3A_175] : memref<80x16x128xf32, #tpu.memory_space<vmem>>, vector<8x16x128xf32>
    tpu.vector_store %arg4[%swap3A_173, %swap3A_174, %swap3A_175], %reshape3A_172 {strides = array<i32>} : memref<80x16x128xf32, #tpu.memory_space<vmem>>, vector<8x16x128xf32>,
    %slice3A_177 = vector.extract_strided_slice %mul3A {offsets = [1024, 0], sizes = [256, 128], strides = [1, 1]} : vector<2560x128xf32> to vector<256x128xf32>
    %slice3A_178 = vector.extract_strided_slice %reshape3A_130 {offsets = [1024, 0], sizes = [256, 16], strides = [1, 1]} : vector<2560x16xf32> to vector<256x16xf32>
    %dot_general3A_179 = arith.constant dense<0.000000e+00> : vector<256x128xf32>
    %dot_general3A_180 = tpu.matmul %slice3A_178, %convert_element_type3A_57, %dot_general3A_179 {dimension_numbers = #tpu.dot_dimension_numbers<[1], [0], [0], [1], [0, 0, 1, 1], [], []>, transpose_lhs_hint = false} : vector<256x16xf32>, vector<16x128xf32>, vector<256x128xf32> -> vector<256x128xf32>
    %mul3A_181 = arith.mulf %dot_general3A_180, %convert_element_type3A_124 : vector<256x128xf32>
    %dot_general3A_182 = arith.constant dense<0.000000e+00> : vector<128x128xf32>
    %dot_general3A_183 = tpu.matmul %mul3A_181, %slice3A_177, %dot_general3A_182 {dimension_numbers = #tpu.dot_dimension_numbers<[0], [0], [1], [1], [0, 1, 1, 1], [], []>, transpose_lhs_hint = false} : vector<256x128xf32>, vector<256x128xf32>, vector<128x128xf32> -> vector<128x128xf32>
    %reshape3A_184 = vector.shape_cast %dot_general3A_183 : vector<128x128xf32> to vector<8x16x128xf32>
    %swap3A_185 = arith.constant 32 : index
    %swap3A_186 = arith.constant 0 : index
    %swap3A_187 = arith.constant 0 : index
    %swap3A_188 = vector.load %arg4[%swap3A_185, %swap3A_186, %swap3A_187] : memref<80x16x128xf32, #tpu.memory_space<vmem>>, vector<8x16x128xf32>
    tpu.vector_store %arg4[%swap3A_185, %swap3A_186, %swap3A_187], %reshape3A_184 {strides = array<i32>} : memref<80x16x128xf32, #tpu.memory_space<vmem>>, vector<8x16x128xf32>,
    %slice3A_189 = vector.extract_strided_slice %mul3A {offsets = [1280, 0], sizes = [256, 128], strides = [1, 1]} : vector<2560x128xf32> to vector<256x128xf32>
    %slice3A_190 = vector.extract_strided_slice %reshape3A_130 {offsets = [1280, 0], sizes = [256, 16], strides = [1, 1]} : vector<2560x16xf32> to vector<256x16xf32>
    %dot_general3A_191 = arith.constant dense<0.000000e+00> : vector<256x128xf32>
    %dot_general3A_192 = tpu.matmul %slice3A_190, %convert_element_type3A_57, %dot_general3A_191 {dimension_numbers = #tpu.dot_dimension_numbers<[1], [0], [0], [1], [0, 0, 1, 1], [], []>, transpose_lhs_hint = false} : vector<256x16xf32>, vector<16x128xf32>, vector<256x128xf32> -> vector<256x128xf32>
    %mul3A_193 = arith.mulf %dot_general3A_192, %convert_element_type3A_124 : vector<256x128xf32>
    %dot_general3A_194 = arith.constant dense<0.000000e+00> : vector<128x128xf32>
    %dot_general3A_195 = tpu.matmul %mul3A_193, %slice3A_189, %dot_general3A_194 {dimension_numbers = #tpu.dot_dimension_numbers<[0], [0], [1], [1], [0, 1, 1, 1], [], []>, transpose_lhs_hint = false} : vector<256x128xf32>, vector<256x128xf32>, vector<128x128xf32> -> vector<128x128xf32>
    %reshape3A_196 = vector.shape_cast %dot_general3A_195 : vector<128x128xf32> to vector<8x16x128xf32>
    %swap3A_197 = arith.constant 40 : index
    %swap3A_198 = arith.constant 0 : index
    %swap3A_199 = arith.constant 0 : index
    %swap3A_200 = vector.load %arg4[%swap3A_197, %swap3A_198, %swap3A_199] : memref<80x16x128xf32, #tpu.memory_space<vmem>>, vector<8x16x128xf32>
    tpu.vector_store %arg4[%swap3A_197, %swap3A_198, %swap3A_199], %reshape3A_196 {strides = array<i32>} : memref<80x16x128xf32, #tpu.memory_space<vmem>>, vector<8x16x128xf32>,
    %slice3A_201 = vector.extract_strided_slice %mul3A {offsets = [1536, 0], sizes = [256, 128], strides = [1, 1]} : vector<2560x128xf32> to vector<256x128xf32>
    %slice3A_202 = vector.extract_strided_slice %reshape3A_130 {offsets = [1536, 0], sizes = [256, 16], strides = [1, 1]} : vector<2560x16xf32> to vector<256x16xf32>
    %dot_general3A_203 = arith.constant dense<0.000000e+00> : vector<256x128xf32>
    %dot_general3A_204 = tpu.matmul %slice3A_202, %convert_element_type3A_57, %dot_general3A_203 {dimension_numbers = #tpu.dot_dimension_numbers<[1], [0], [0], [1], [0, 0, 1, 1], [], []>, transpose_lhs_hint = false} : vector<256x16xf32>, vector<16x128xf32>, vector<256x128xf32> -> vector<256x128xf32>
    %mul3A_205 = arith.mulf %dot_general3A_204, %convert_element_type3A_124 : vector<256x128xf32>
    %dot_general3A_206 = arith.constant dense<0.000000e+00> : vector<128x128xf32>
    %dot_general3A_207 = tpu.matmul %mul3A_205, %slice3A_201, %dot_general3A_206 {dimension_numbers = #tpu.dot_dimension_numbers<[0], [0], [1], [1], [0, 1, 1, 1], [], []>, transpose_lhs_hint = false} : vector<256x128xf32>, vector<256x128xf32>, vector<128x128xf32> -> vector<128x128xf32>
    %reshape3A_208 = vector.shape_cast %dot_general3A_207 : vector<128x128xf32> to vector<8x16x128xf32>
    %swap3A_209 = arith.constant 48 : index
    %swap3A_210 = arith.constant 0 : index
    %swap3A_211 = arith.constant 0 : index
    %swap3A_212 = vector.load %arg4[%swap3A_209, %swap3A_210, %swap3A_211] : memref<80x16x128xf32, #tpu.memory_space<vmem>>, vector<8x16x128xf32>
    tpu.vector_store %arg4[%swap3A_209, %swap3A_210, %swap3A_211], %reshape3A_208 {strides = array<i32>} : memref<80x16x128xf32, #tpu.memory_space<vmem>>, vector<8x16x128xf32>,
    %slice3A_213 = vector.extract_strided_slice %mul3A {offsets = [1792, 0], sizes = [256, 128], strides = [1, 1]} : vector<2560x128xf32> to vector<256x128xf32>
    %slice3A_214 = vector.extract_strided_slice %reshape3A_130 {offsets = [1792, 0], sizes = [256, 16], strides = [1, 1]} : vector<2560x16xf32> to vector<256x16xf32>
    %dot_general3A_215 = arith.constant dense<0.000000e+00> : vector<256x128xf32>
    %dot_general3A_216 = tpu.matmul %slice3A_214, %convert_element_type3A_57, %dot_general3A_215 {dimension_numbers = #tpu.dot_dimension_numbers<[1], [0], [0], [1], [0, 0, 1, 1], [], []>, transpose_lhs_hint = false} : vector<256x16xf32>, vector<16x128xf32>, vector<256x128xf32> -> vector<256x128xf32>
    %mul3A_217 = arith.mulf %dot_general3A_216, %convert_element_type3A_124 : vector<256x128xf32>
    %dot_general3A_218 = arith.constant dense<0.000000e+00> : vector<128x128xf32>
    %dot_general3A_219 = tpu.matmul %mul3A_217, %slice3A_213, %dot_general3A_218 {dimension_numbers = #tpu.dot_dimension_numbers<[0], [0], [1], [1], [0, 1, 1, 1], [], []>, transpose_lhs_hint = false} : vector<256x128xf32>, vector<256x128xf32>, vector<128x128xf32> -> vector<128x128xf32>
    %reshape3A_220 = vector.shape_cast %dot_general3A_219 : vector<128x128xf32> to vector<8x16x128xf32>
    %swap3A_221 = arith.constant 56 : index
    %swap3A_222 = arith.constant 0 : index
    %swap3A_223 = arith.constant 0 : index
    %swap3A_224 = vector.load %arg4[%swap3A_221, %swap3A_222, %swap3A_223] : memref<80x16x128xf32, #tpu.memory_space<vmem>>, vector<8x16x128xf32>
    tpu.vector_store %arg4[%swap3A_221, %swap3A_222, %swap3A_223], %reshape3A_220 {strides = array<i32>} : memref<80x16x128xf32, #tpu.memory_space<vmem>>, vector<8x16x128xf32>,
    %slice3A_225 = vector.extract_strided_slice %mul3A {offsets = [2048, 0], sizes = [256, 128], strides = [1, 1]} : vector<2560x128xf32> to vector<256x128xf32>
    %slice3A_226 = vector.extract_strided_slice %reshape3A_130 {offsets = [2048, 0], sizes = [256, 16], strides = [1, 1]} : vector<2560x16xf32> to vector<256x16xf32>
    %dot_general3A_227 = arith.constant dense<0.000000e+00> : vector<256x128xf32>
    %dot_general3A_228 = tpu.matmul %slice3A_226, %convert_element_type3A_57, %dot_general3A_227 {dimension_numbers = #tpu.dot_dimension_numbers<[1], [0], [0], [1], [0, 0, 1, 1], [], []>, transpose_lhs_hint = false} : vector<256x16xf32>, vector<16x128xf32>, vector<256x128xf32> -> vector<256x128xf32>
    %mul3A_229 = arith.mulf %dot_general3A_228, %convert_element_type3A_124 : vector<256x128xf32>
    %dot_general3A_230 = arith.constant dense<0.000000e+00> : vector<128x128xf32>
    %dot_general3A_231 = tpu.matmul %mul3A_229, %slice3A_225, %dot_general3A_230 {dimension_numbers = #tpu.dot_dimension_numbers<[0], [0], [1], [1], [0, 1, 1, 1], [], []>, transpose_lhs_hint = false} : vector<256x128xf32>, vector<256x128xf32>, vector<128x128xf32> -> vector<128x128xf32>
    %reshape3A_232 = vector.shape_cast %dot_general3A_231 : vector<128x128xf32> to vector<8x16x128xf32>
    %swap3A_233 = arith.constant 64 : index
    %swap3A_234 = arith.constant 0 : index
    %swap3A_235 = arith.constant 0 : index
    %swap3A_236 = vector.load %arg4[%swap3A_233, %swap3A_234, %swap3A_235] : memref<80x16x128xf32, #tpu.memory_space<vmem>>, vector<8x16x128xf32>
    tpu.vector_store %arg4[%swap3A_233, %swap3A_234, %swap3A_235], %reshape3A_232 {strides = array<i32>} : memref<80x16x128xf32, #tpu.memory_space<vmem>>, vector<8x16x128xf32>,
    %slice3A_237 = vector.extract_strided_slice %mul3A {offsets = [2304, 0], sizes = [256, 128], strides = [1, 1]} : vector<2560x128xf32> to vector<256x128xf32>
    %slice3A_238 = vector.extract_strided_slice %reshape3A_130 {offsets = [2304, 0], sizes = [256, 16], strides = [1, 1]} : vector<2560x16xf32> to vector<256x16xf32>
    %dot_general3A_239 = arith.constant dense<0.000000e+00> : vector<256x128xf32>
    %dot_general3A_240 = tpu.matmul %slice3A_238, %convert_element_type3A_57, %dot_general3A_239 {dimension_numbers = #tpu.dot_dimension_numbers<[1], [0], [0], [1], [0, 0, 1, 1], [], []>, transpose_lhs_hint = false} : vector<256x16xf32>, vector<16x128xf32>, vector<256x128xf32> -> vector<256x128xf32>
    %mul3A_241 = arith.mulf %dot_general3A_240, %convert_element_type3A_124 : vector<256x128xf32>
    %dot_general3A_242 = arith.constant dense<0.000000e+00> : vector<128x128xf32>
    %dot_general3A_243 = tpu.matmul %mul3A_241, %slice3A_237, %dot_general3A_242 {dimension_numbers = #tpu.dot_dimension_numbers<[0], [0], [1], [1], [0, 1, 1, 1], [], []>, transpose_lhs_hint = false} : vector<256x128xf32>, vector<256x128xf32>, vector<128x128xf32> -> vector<128x128xf32>
    %reshape3A_244 = vector.shape_cast %dot_general3A_243 : vector<128x128xf32> to vector<8x16x128xf32>
    %swap3A_245 = arith.constant 72 : index
    %swap3A_246 = arith.constant 0 : index
    %swap3A_247 = arith.constant 0 : index
    %swap3A_248 = vector.load %arg4[%swap3A_245, %swap3A_246, %swap3A_247] : memref<80x16x128xf32, #tpu.memory_space<vmem>>, vector<8x16x128xf32>
    tpu.vector_store %arg4[%swap3A_245, %swap3A_246, %swap3A_247], %reshape3A_244 {strides = array<i32>} : memref<80x16x128xf32, #tpu.memory_space<vmem>>, vector<8x16x128xf32>,
    return
  }
  func.func @transform_0(%arg0: i32) -> (i32, i32) {
    %c0_i32 = arith.constant 0 : i32
    %c0_i32_0 = arith.constant 0 : i32
    return %arg0, %c0_i32 : i32, i32
  }
  func.func @transform_1(%arg0: i32) -> (i32, i32, i32, i32) {
    %c0_i32 = arith.constant 0 : i32
    %c0_i32_0 = arith.constant 0 : i32
    %c0_i32_1 = arith.constant 0 : i32
    %c0_i32_2 = arith.constant 0 : i32
    return %c0_i32, %arg0, %c0_i32_0, %c0_i32_1 : i32, i32, i32, i32
  }
  func.func @transform_2(%arg0: i32) -> (i32, i32, i32, i32) {
    %c0_i32 = arith.constant 0 : i32
    %c0_i32_0 = arith.constant 0 : i32
    %c0_i32_1 = arith.constant 0 : i32
    %c0_i32_2 = arith.constant 0 : i32
    return %c0_i32, %arg0, %c0_i32_0, %c0_i32_1 : i32, i32, i32, i32
  }
  func.func @transform_3(%arg0: i32) -> (i32, i32, i32) {
    %c0_i32 = arith.constant 0 : i32
    %c0_i32_0 = arith.constant 0 : i32
    %c0_i32_1 = arith.constant 0 : i32
    return %arg0, %c0_i32, %c0_i32_0 : i32, i32, i32
  }
}

</mosaic_0001>

<sc_bundles>
// kernel: kernel.4.cloned.1.call-start
scs
__scs_entry_jumppad:
0x0: {  	(pc) =	sbr.rel $0x88, $3  }
0x1: {  	(tag) =	ssettag $0x0;
	lr =	simm.s32 $0x1  }
0x2: {  	[smem:$0x3F9D] =	sst lr;
	_ =	strace $0xD0000000  }
0x3: {  	_ = 	snop  }
0x4: {  	_ = 	snop  }
0x5: {  	_ = 	snop  }
0x6: {  	_ = 	snop  }
0x7: {  	_ = 	snop  }
__scs_overlays_trampoline_lowered:
0x8: {  	[smem:$0x3FAC] =	sst s0  }
0x9: {  	[smem:$0x3FAD] =	sst s1  }
0xa: {  	[smem:$0x3FAE] =	sst s2  }
0xb: {  	[smem:$0x3FAF] =	sst s3  }
0xc: {  	[smem:$0x3FB0] =	sst s4  }
0xd: {  	[smem:$0x3FB1] =	sst s5  }
0xe: {  	[smem:$0x3FB2] =	sst s6  }
0xf: {  	[smem:$0x3FB3] =	sst s7  }
0x10: {  	[smem:$0x3FB4] =	sst s8  }
0x11: {  	[smem:$0x3FB5] =	sst s9;
	s0 =	simm.s32 @!p0 $0x0  }
0x12: {  	s1 =	sld [smem:$0x3F9B];
	s0 =	simm.s32 @p0 $0x1  }
0x13: {  	[smem:$0x3FB6] =	sst s0;
	s0 =	simm.s32 @!p1 $0x0  }
0x14: {  	s2 =	sld [smem:$0x3F9A];
	s0 =	simm.s32 @p1 $0x1  }
0x15: {  	[smem:$0x3FB7] =	sst s0;
	s0 =	simm.s32 @!p2 $0x0  }
0x16: {  	s3 =	sld [smem:$0x3FDB];
	s0 =	simm.s32 @p2 $0x1  }
0x17: {  	s4 =	simm.s32 $0x1BF5;
	[smem:$0x3FB9] =	sst s0  }
0x18: {  	s0 =	sld [smem:$0x3F9C];
	_ =	swait.ge [sflag:s4], $0x0  }
0x19: {  	s7 =	sld [smem:$0x3F9D]  }
0x1a: {  	s8 =	sadd.s32 $0xFFFFE003, lr  }
0x1b: {  	s9 =	sadd.s32 $0xFFFFFEF7, lr;
	s5 =	simm.s32 $0xFFFFFFFF;
	p2 =	slt.u32 s8, $0xFFFFF086  }
0x1c: {  	p1 =	slt.u32 s9, $0xF7A;
	s5 =	simm.s32 @!p2 $0x0  }
0x1d: {  	s5 =	simm.s32 @p1 $0x1;
	p0 =	seq.s32 s7, s2  }
0x1e: {  	s7 =	smul.u32 @!p0 $0xF7A, s2;
	p2 =	seq.s32 @!p0 s5, $0x0  }
0x1f: {  	s9 =	smul.u32 $0xF7A, s1;
	s8 =	simm.s32 @!p0 $0x1BF5;
	p2 =	por !p2, p0  }
0x20: {  	[sflag:s8] =	ssyncset.s32 @!p0 $0xFFFFF086;
	s6 =	sadd.s32 @!p0 s3, s7;
	s7 =	simm.s32 @!p0 $0x108  }
0x21: {  	s3 =	sadd.s32 s3, s9;
	s6 =	sadd.s32 @!p0 $0x88, s6;
	s7 =	simm.s32 @p2 $0x1082  }
0x22: {  	[simem:s7], [sflag:s8] =	dma.local @!p0 [hbm:s6], $0xF7A  }
0x23: {  	s9 =	sor.u32 $0xD0000000, s2;
	s6 =	simm.s32 $0x108;
	_ =	swait.ge @!p0 [sflag:s8], $0x0  }
0x24: {  	s3 =	sadd.s32 $0x88, s3;
	s6 =	simm.s32 @!p1 $0x1082;
	[sflag:s4] =	ssyncset.s32 $0xFFFFF086  }
0x25: {  	[simem:s6], [sflag:s4] =	dma.local [hbm:s3], $0xF7A  }
0x26: {  	[smem:$0x3F9D] =	sst s1;
	(tag) =	ssettag s2;
	_ =	strace s9  }
0x27: {  	s1 =	sld [smem:$0x3FAD]  }
0x28: {  	s2 =	sld [smem:$0x3FAE]  }
0x29: {  	s4 =	sld [smem:$0x3FB0]  }
0x2a: {  	p0 =	seq.s32 s5, $0x0;
	s5 =	sld [smem:$0x3FB1]  }
0x2b: {  	s6 =	sld [smem:$0x3FB2]  }
0x2c: {  	s7 =	sld [smem:$0x3FB3]  }
0x2d: {  	s3 =	simm.s32 $0x108;
	s8 =	sld [smem:$0x3FB4]  }
0x2e: {  	s3 =	simm.s32 @!p0 $0x1082;
	s9 =	sld [smem:$0x3FB5]  }
0x2f: {  	lr =	sadd.s32 s0, s3;
	s0 =	sld [smem:$0x3FAC]  }
0x30: {  	s3 =	sld [smem:$0x3FAF]  }
0x31: {  	[smem:$0x3FB8] =	sst s10  }
0x32: {  	s10 =	sld [smem:$0x3FB6];
	_ =	sdelay $0x3  }
0x33: {  	p0 =	seq.s32 s10, $0x1;
	s10 =	sld [smem:$0x3FB8];
	_ =	sdelay $0x3  }
0x34: {  	[smem:$0x3FB8] =	sst s10  }
0x35: {  	s10 =	sld [smem:$0x3FB7];
	_ =	sdelay $0x3  }
0x36: {  	p1 =	seq.s32 s10, $0x1;
	s10 =	sld [smem:$0x3FB8];
	_ =	sdelay $0x3  }
0x37: {  	[smem:$0x3FB8] =	sst s10  }
0x38: {  	s10 =	sld [smem:$0x3FB9]  }
0x39: {  	_ = 	snop;
	(pc) =	sbr.ind lr, $3  }
0x3a: {  	_ = 	snop  }
0x3b: {  	_ = 	snop  }
0x3c: {  	p2 =	seq.s32 s10, $0x1;
	s10 =	sld [smem:$0x3FB8]  }
0x3d: {  	_ =	shalt  }
0x3e: {  	_ =	shalt  }
0x3f: {  	_ =	shalt  }
0x40: {  	_ =	shalt  }
0x41: {  	_ =	shalt  }
0x42: {  	_ =	shalt  }
0x43: {  	_ =	shalt  }
0x44: {  	_ =	shalt  }
0x45: {  	_ =	shalt  }
0x46: {  	_ =	shalt  }
0x47: {  	_ =	shalt  }
0x48: {  	_ =	shalt  }
0x49: {  	_ =	shalt  }
0x4a: {  	_ =	shalt  }
0x4b: {  	_ =	shalt  }
0x4c: {  	_ =	shalt  }
0x4d: {  	_ =	shalt  }
0x4e: {  	_ =	shalt  }
0x4f: {  	_ =	shalt  }
0x50: {  	_ =	shalt  }
0x51: {  	_ =	shalt  }
0x52: {  	_ =	shalt  }
0x53: {  	_ =	shalt  }
0x54: {  	_ =	shalt  }
0x55: {  	_ =	shalt  }
0x56: {  	_ =	shalt  }
0x57: {  	_ =	shalt  }
0x58: {  	_ =	shalt  }
0x59: {  	_ =	shalt  }
0x5a: {  	_ =	shalt  }
0x5b: {  	_ =	shalt  }
0x5c: {  	_ =	shalt  }
0x5d: {  	_ =	shalt  }
0x5e: {  	_ =	shalt  }
0x5f: {  	_ =	shalt  }
0x60: {  	_ =	shalt  }
0x61: {  	_ =	shalt  }
0x62: {  	_ =	shalt  }
0x63: {  	_ =	shalt  }
0x64: {  	_ =	shalt  }
0x65: {  	_ =	shalt  }
0x66: {  	_ =	shalt  }
0x67: {  	_ =	shalt  }
0x68: {  	_ =	shalt  }
0x69: {  	_ =	shalt  }
0x6a: {  	_ =	shalt  }
0x6b: {  	_ =	shalt  }
0x6c: {  	_ =	shalt  }
0x6d: {  	_ =	shalt  }
0x6e: {  	_ =	shalt  }
0x6f: {  	_ =	shalt  }
0x70: {  	_ =	shalt  }
0x71: {  	_ =	shalt  }
0x72: {  	_ =	shalt  }
0x73: {  	_ =	shalt  }
0x74: {  	_ =	shalt  }
0x75: {  	_ =	shalt  }
0x76: {  	_ =	shalt  }
0x77: {  	_ =	shalt  }
0x78: {  	_ =	shalt  }
0x79: {  	_ =	shalt  }
0x7a: {  	_ =	shalt  }
0x7b: {  	_ =	shalt  }
0x7c: {  	_ =	shalt  }
0x7d: {  	_ =	shalt  }
0x7e: {  	_ =	shalt  }
0x7f: {  	_ =	shalt  }
0x80: {  	_ =	shalt  }
0x81: {  	_ =	shalt  }
0x82: {  	_ =	shalt  }
0x83: {  	_ =	shalt  }
0x84: {  	_ =	shalt  }
0x85: {  	_ =	shalt  }
0x86: {  	_ =	shalt  }
0x87: {  	_ =	shalt  }
.Lfunc_end0:
.L_simem_size_0:
called_computation.2_lowered:
.L_overlay_start_0:
0x88: {  	s2 =	sld [smem:$0x3FD9]  }
0x89: {  	s3 =	sld [smem:$0x3FFE];
	_ =	sdelay $0x1  }
0x8a: {  	s1 =	srdreg.scid  }
0x8b: {  	s0 =	sand.u32 $0x1, s1  }
0x8c: {  	s17 =	sshll.u32 s0, $0xA;
	s2 =	sadd.s32 s3, s2  }
0x8d: {  	s2 =	sadd.s32 s2, s17  }
0x8e: {  	[smem:$0x3FC4] =	sst s2  }
0x8f: {  	_ = 	snop  }
0x90: {  	s2 =	sld [smem:$0x3FC9]  }
0x91: {  	s18 =	sld [smem:$0x3FD0];
	(tm) =	ssettm $0x1  }
0x92: {  	s4 =	sld [smem:$0x3FFB];
	_ =	sdelay $0x3  }
0x93: {  	_ =	strace s4  }
0x94: {  	s4 =	sld [smem:$0x3FFC];
	_ =	sdelay $0x3  }
0x95: {  	_ =	strace s4  }
0x96: {  	s4 =	sld [smem:$0x3FFD];
	_ =	sdelay $0x3  }
0x97: {  	_ =	strace s4  }
0x98: {  	_ =	strace $0x8FFFFFFF  }
0x99: {  	s19 =	sld [smem:$0x3FDB];
	_ =	sdelay $0x1  }
0x9a: {  	s5 =	simm.s32 $_scs_section_size  }
0x9b: {  	s6 =	simm.s32 $_size__tile_overlayer_lowered;
	s7 =	simm.s32 $_tile_overlayer_lowered  }
0x9c: {  	s22 =	simm.s32 $0x1BFF;
	s21 =	sshll.u32 s7, $0x1;
	s4 =	sadd.s32 s5, s19  }
0x9d: {  	s8 =	simm.s32 $0x0;
	s20 =	sshll.u32 s6, $0x1;
	s6 =	sadd.s32 s21, s4  }
0x9e: {  	[timem:s8], [sflag:s22] =	dma.local [hbm:s6], s20  }
0x9f: {  	_ =	swait.ge [sflag:s22], s20  }
0xa0: {  	s5 =	ssub.s32 $0x0, s20;
	[sflag:s22] =	ssyncset.done $0x0  }
0xa1: {  	[sflag:s22] =	ssyncadd.s32 s5;
	_ =	sdelay $0x1  }
0xa2: {  	s23 =	simm.s32 $0x1B8B  }
0xa3: {  	_ =	swait.ge [sflag:s23], $0x1  }
0xa4: {  	[sflag:s23] =	ssyncset.done $0x0  }
0xa5: {  	s25 =	simm.s32 $0x1B8E;
	s24 =	sld [smem:$0x3FFE];
	[sflag:s23] =	ssyncadd.s32 $0xFFFFFFFF  }
0xa6: {  	s26 =	simm.s32 $execute0_lowered;
	[smem:$0x3FD2] =	sst s25  }
0xa7: {  	s6 =	sshll.u32 s26, $0x1;
	_ =	strace $0x80000046;
	[dreg:$0x1] =	wrdreg $0xFFFFFFFF  }
0xa8: {  	s28 =	simm.s32 $_size_execute0_lowered;
	s4 =	sadd.s32 s4, s6;
	[dreg:$0x0] =	wrdreg $0x0  }
0xa9: {  	s6 =	sshll.u32 s28, $0x1;
	[dreg:$0x2] =	wrdreg s4  }
0xaa: {  	[dreg:$0x3] =	wrdreg s6  }
0xab: {  	[dreg:$0x4] =	wrdreg $0xC0  }
0xac: {  	_ =	task [dreg:s8], $0x5FFFF  }
0xad: {  	[dreg:$0x1] =	wrdreg $0xFFFFFFFF  }
0xae: {  	[dreg:$0x0] =	wrdreg $0x60  }
0xaf: {  	[dreg:$0x2] =	wrdreg s2  }
0xb0: {  	[dreg:$0x3] =	wrdreg s18  }
0xb1: {  	[dreg:$0x4] =	wrdreg s24  }
0xb2: {  	[dreg:$0x5] =	wrdreg $0x9  }
0xb3: {  	_ =	task.clear_ibuf [dreg:s8], $0x6FFFF;
	_ =	strace $0x90000046  }
0xb4: {  	s29 =	simm.s32 $0x9;
	_ =	strace $0x80000048  }
0xb5: {  	_ =	swait.ge [sflag:s29], $0x1  }
0xb6: {  	[sflag:s29] =	ssyncadd.s32 $0xFFFFFFFF  }
0xb7: {  	_ =	strace $0x90000048  }
0xb8: {  	_ =	sfence  }
0xb9: {  	s30 =	sld [smem:$0x0];
	_ =	sdelay $0x2  }
0xba: {  	s31 =	sshll.u32 s1, $0xD;
	s1 =	sshrl.u32 s1, $0x2  }
0xbb: {  	s3 =	sand.u32 $0x4000, s31;
	s1 =	sadd.s32 s1, s30  }
0xbc: {  	s0 =	sor.u32 s3, s0;
	s1 =	sshll.u32 s1, $0x11  }
0xbd: {  	s0 =	sor.u32 s1, s0  }
0xbe: {  	s0 =	sadd.s32 $0x8F2B, s0  }
0xbf: {  	[sflag:s0] =	ssyncadd.remote.s32 $0x1  }
0xc0: {  	_ =	sfence.sel $0xFFFF  }
0xc1: {  	[dreg:$0x0] =	wrdreg $0xFFFFFFFF;
	(pc) =	sbr.abs _section_cstart, $3  }
0xc2: {  	[dreg:$0x1] =	wrdreg $0xFFFFFFFF  }
0xc3: {  	_ =	task.clear_ibuf [dreg:s8], $0x2FFFF;
	_ =	strace $0x9FFFFFFF  }
0xc4: {  	(tm) =	ssettm $0x7FFFFFFF  }
0xc5: {  	_ =	shalt  }
tec
execute0_lowered:
.L_overlay_start_1:
0x0: {  	(tag) =	ssettag $0x1  }
0x1: {  	s1 =	rddreg [dreg:$0x0]  }
0x2: {  	s2 =	srdreg.scid;
	s4 =	rddreg [dreg:$0x1]  }
0x3: {  	s0 =	stileid.u32;
	s5 =	rddreg [dreg:$0x2]  }
0x4: {  	s3 =	simm.s32 $0x0;
	s13 =	simm.s32 $0x6800;
	s14 =	simm.s32 $0xA800  }
0x5: {  	s15 =	simm.s32 $0x1;
	s16 =	simm.s32 $0x4;
	s17 =	simm.s32 $0x2  }
0x6: {  	s18 =	simm.s32 $0x5;
	s19 =	simm.s32 $0x3;
	s20 =	simm.s32 $0x6  }
0x7: {  	s21 =	simm.s32 $0x0;
	s6 =	sand.u32 $0x1, s2;
	s11 =	smul.u32 $0xA0, s0  }
0x8: {  	s25 =	sshll.u32 s0, $0x1;
	s2 =	rddreg [dreg:$0x3];
	s29 =	smul.u32 $0x50000, s0  }
0x9: {  	[smem:$0x7FF] =	sst s3;
	s12 =	sadd.s32 $0x1000, s5;
	s28 =	smul.u32 $0x50, s6  }
0xa: {  	s7 =	sor.u32 s6, s25;
	s9 =	ssub.s32 $0x2, s6;
	s30 =	smul.u32 $0x28000, s6  }
0xb: {  	_ =	strace $0x80000047;
	s8 =	smul.u32 $0x500, s7;
	s10 =	sshrl.u32 s9, $0x1  }
0xc: {  	s7 =	smul.u32 $0x28000, s7;
	s31 =	sadd.s32 s29, s12;
	s26 =	ssub.s32 s9, s10  }
0xd: {  	s9 =	sadd.s32 s28, s11;
	s10 =	simm.s32 $0x7;
	s11 =	simm.s32 $0x80  }
0xe: {  	s4 =	sadd.s32 s4, s8;
	s5 =	smax.u32 s26, $0x1;
	s7 =	sadd.s32 s12, s7  }
0xf: {  	s9 =	sshll.u32 s9, $0xB;
	s6 =	sadd.s32 $0x27000, s7;
	s7 =	sadd.s32 $0x27800, s7  }
0x10: {  	s8 =	sadd.s32 s9, s12;
	s9 =	sadd.s32 s30, s31;
	s12 =	simm.s32 $0x2800  }
.LBB2_1:
0x11: {  	[tilespmem:s3], [sflag:$0x7] =	stream.linear.gather [hbm4b:s4+s3], $0x2800, $0x38;
	[tilespmem:$0xE800] =	vst v63  }
0x12: {  	_ =	swait.ge [sflag:s10], $0x2800  }
0x13: {  	[sflag:s10] =	ssyncset.done $0x0  }
0x14: {  	p0 =	por $0x1, $0x1;
	[sflag:s10] =	ssyncadd.s32 $0xFFFFD800  }
0x15: {  	[tilespmem:s12], [sflag:$0x1] =	stream.indirect.gather [hbm4b:s1+s11], $0x80, s3, s11, $0xb8;
	[tilespmem:$0xE800] =	vst v63  }
0x16: {  	s22 =	simm.s32 @!p0 $0x6  }
0x17: {  	[tilespmem:s13], [sflag:$0x2] =	stream.indirect.gather [hbm4b:s1+s11], $0x80, s11, s11, $0xb8;
	[tilespmem:$0xE800] =	vst v63  }
0x18: {  	_ =	swait.ge @!p0 [sflag:s22], $0x4000  }
0x19: {  	[sflag:s22] =	ssyncset.done @!p0 $0x0  }
0x1a: {  	s23 =	simm.s32 $0x100;
	[sflag:s22] =	ssyncadd.s32 @!p0 $0xFFFFC000  }
0x1b: {  	[tilespmem:s14], [sflag:$0x3] =	stream.indirect.gather [hbm4b:s1+s11], $0x80, s23, s11, $0xb8;
	[tilespmem:$0xE800] =	vst v63  }
0x1c: {  	_ =	swait.ge [sflag:s15], $0x4000  }
0x1d: {  	[sflag:s15] =	ssyncset.done $0x0  }
0x1e: {  	s28 =	sadd.s32 $0x0, s9;
	[sflag:s15] =	ssyncadd.s32 $0xFFFFC000  }
0x1f: {  	[hbm4b:s28+s3] =	stream.linear.scatter [tilespmem:s12], [sflag:$0x4], $0x4000, $0x38;
	[tilespmem:$0xE800] =	vst v63  }
0x20: {  	_ =	swait.ge [sflag:s16], $0x4000  }
0x21: {  	[sflag:s16] =	ssyncset.done $0x0  }
0x22: {  	s29 =	simm.s32 $0x180;
	[sflag:s16] =	ssyncadd.s32 $0xFFFFC000  }
0x23: {  	[tilespmem:s12], [sflag:$0x1] =	stream.indirect.gather [hbm4b:s1+s11], $0x80, s29, s11, $0xb8;
	[tilespmem:$0xE800] =	vst v63  }
0x24: {  	_ =	swait.ge [sflag:s17], $0x4000  }
0x25: {  	s26 =	sadd.s32 $0x0, s8;
	[sflag:s17] =	ssyncset.done $0x0  }
0x26: {  	s30 =	sadd.s32 $0x800, s26;
	[sflag:s17] =	ssyncadd.s32 $0xFFFFC000  }
0x27: {  	[hbm4b:s30+s3] =	stream.linear.scatter [tilespmem:s13], [sflag:$0x5], $0x4000, $0x38;
	[tilespmem:$0xE800] =	vst v63  }
0x28: {  	_ =	swait.ge [sflag:s18], $0x4000  }
0x29: {  	s24 =	simm.s32 $0x3000;
	[sflag:s18] =	ssyncset.done $0x0  }
0x2a: {  	s31 =	simm.s32 $0x200;
	s25 =	simm.s32 $0x2;
	[sflag:s18] =	ssyncadd.s32 $0xFFFFC000  }
0x2b: {  	[tilespmem:s13], [sflag:$0x2] =	stream.indirect.gather [hbm4b:s1+s11], $0x80, s31, s11, $0xb8;
	[tilespmem:$0xE800] =	vst v63  }
0x2c: {  	p1 =	por $0x0, $0x0;
	s26 =	sadd.s32 $0x1000, s26;
	_ =	swait.ge [sflag:s19], $0x4000  }
0x2d: {  	s22 =	simm.s32 $0x1800;
	s23 =	simm.s32 $0x280;
	[sflag:s19] =	ssyncset.done $0x0  }
.LBB2_2:
0x2e: {  	s28 =	simm.s32 @!p1 $0x6  }
0x2f: {  	[sflag:s19] =	ssyncadd.s32 $0xFFFFC000;
	s29 =	smov.u32 s24;
	s24 =	sadd.s32 $0x1800, s24  }
0x30: {  	[hbm4b:s26+s3] =	stream.linear.scatter [tilespmem:s14], [sflag:$0x6], $0x4000, $0x38;
	[tilespmem:$0xE800] =	vst v63  }
0x31: {  	p0 =	sne.s32 s24, $0x27000;
	_ =	swait.ge @!p1 [sflag:s28], $0x4000  }
0x32: {  	[sflag:s28] =	ssyncset.done @!p1 $0x0  }
0x33: {  	[sflag:s28] =	ssyncadd.s32 @!p1 $0xFFFFC000  }
0x34: {  	[tilespmem:s14], [sflag:$0x3] =	stream.indirect.gather [hbm4b:s1+s11], $0x80, s23, s11, $0xb8;
	[tilespmem:$0xE800] =	vst v63  }
0x35: {  	_ =	swait.ge [sflag:s15], $0x4000  }
0x36: {  	[sflag:s15] =	ssyncset.done $0x0  }
0x37: {  	s26 =	sadd.s32 s22, s9;
	[sflag:s15] =	ssyncadd.s32 $0xFFFFC000  }
0x38: {  	[hbm4b:s26+s3] =	stream.linear.scatter [tilespmem:s12], [sflag:$0x4], $0x4000, $0x38;
	[tilespmem:$0xE800] =	vst v63  }
0x39: {  	_ =	swait.ge [sflag:s16], $0x4000  }
0x3a: {  	[sflag:s16] =	ssyncset.done $0x0  }
0x3b: {  	s26 =	sadd.s32 $0x80, s23;
	[sflag:s16] =	ssyncadd.s32 $0xFFFFC000  }
0x3c: {  	[tilespmem:s12], [sflag:$0x1] =	stream.indirect.gather [hbm4b:s1+s11], $0x80, s26, s11, $0xb8;
	[tilespmem:$0xE800] =	vst v63  }
0x3d: {  	_ =	swait.ge [sflag:s17], $0x4000  }
0x3e: {  	s26 =	sadd.s32 s22, s8;
	s22 =	smov.u32 s29;
	[sflag:s17] =	ssyncset.done $0x0  }
0x3f: {  	s28 =	sadd.s32 $0x800, s26;
	[sflag:s17] =	ssyncadd.s32 $0xFFFFC000  }
0x40: {  	[hbm4b:s28+s3] =	stream.linear.scatter [tilespmem:s13], [sflag:$0x5], $0x4000, $0x38;
	[tilespmem:$0xE800] =	vst v63  }
0x41: {  	_ =	swait.ge [sflag:s18], $0x4000  }
.Ltmp0:
0x42: {  	[sflag:s18] =	ssyncset.done $0x0;
	(pc) =	sbr.rel @p0 .LBB2_2-.Ltmp0, $4  }
0x43: {  	s28 =	sadd.s32 $0x100, s23;
	[sflag:s18] =	ssyncadd.s32 $0xFFFFC000  }
0x44: {  	[tilespmem:s13], [sflag:$0x2] =	stream.indirect.gather [hbm4b:s1+s11], $0x80, s28, s11, $0xb8;
	[tilespmem:$0xE800] =	vst v63  }
0x45: {  	s25 =	sadd.s32 $0x3, s25;
	s23 =	sadd.s32 $0x180, s23;
	_ =	swait.ge [sflag:s19], $0x4000  }
0x46: {  	p1 =	sgt.u32 s25, $0x4F;
	s26 =	sadd.s32 $0x1000, s26;
	[sflag:s19] =	ssyncset.done $0x0  }
0x47: {  	s24 =	simm.s32 @!p1 $0x6;
	[sflag:s19] =	ssyncadd.s32 $0xFFFFC000  }
0x48: {  	[hbm4b:s26+s3] =	stream.linear.scatter [tilespmem:s14], [sflag:$0x6], $0x4000, $0x38;
	[tilespmem:$0xE800] =	vst v63  }
0x49: {  	_ =	swait.ge @!p1 [sflag:s24], $0x4000  }
0x4a: {  	[sflag:s24] =	ssyncset.done @!p1 $0x0  }
0x4b: {  	[sflag:s24] =	ssyncadd.s32 @!p1 $0xFFFFC000  }
0x4c: {  	[tilespmem:s14], [sflag:$0x3] =	stream.indirect.gather [hbm4b:s1+s11], $0x80, s23, s11, $0xb8;
	[tilespmem:$0xE800] =	vst v63  }
0x4d: {  	_ =	swait.ge [sflag:s15], $0x4000  }
0x4e: {  	[sflag:s15] =	ssyncset.done $0x0  }
0x4f: {  	s26 =	sadd.s32 s22, s9;
	[sflag:s15] =	ssyncadd.s32 $0xFFFFC000  }
0x50: {  	[hbm4b:s26+s3] =	stream.linear.scatter [tilespmem:s12], [sflag:$0x4], $0x4000, $0x38;
	[tilespmem:$0xE800] =	vst v63  }
0x51: {  	_ =	swait.ge [sflag:s16], $0x4000  }
0x52: {  	[sflag:s16] =	ssyncset.done $0x0  }
0x53: {  	s28 =	sadd.s32 $0x80, s23;
	[sflag:s16] =	ssyncadd.s32 $0xFFFFC000  }
0x54: {  	[tilespmem:s12], [sflag:$0x1] =	stream.indirect.gather [hbm4b:s1+s11], $0x80, s28, s11, $0xb8;
	[tilespmem:$0xE800] =	vst v63  }
0x55: {  	_ =	swait.ge [sflag:s17], $0x4000  }
0x56: {  	s29 =	sadd.s32 s22, s8;
	[sflag:s17] =	ssyncset.done $0x0  }
0x57: {  	s30 =	sadd.s32 $0x800, s29;
	[sflag:s17] =	ssyncadd.s32 $0xFFFFC000  }
0x58: {  	[hbm4b:s30+s3] =	stream.linear.scatter [tilespmem:s13], [sflag:$0x5], $0x4000, $0x38;
	[tilespmem:$0xE800] =	vst v63  }
0x59: {  	_ =	swait.ge [sflag:s18], $0x4000  }
0x5a: {  	[sflag:s18] =	ssyncset.done $0x0  }
0x5b: {  	s31 =	sadd.s32 $0x100, s23;
	[sflag:s18] =	ssyncadd.s32 $0xFFFFC000  }
0x5c: {  	[tilespmem:s13], [sflag:$0x2] =	stream.indirect.gather [hbm4b:s1+s11], $0x80, s31, s11, $0xb8;
	[tilespmem:$0xE800] =	vst v63  }
0x5d: {  	_ =	swait.ge [sflag:s19], $0x4000  }
0x5e: {  	[sflag:s19] =	ssyncset.done $0x0  }
0x5f: {  	s22 =	sadd.s32 $0x1000, s29;
	[sflag:s19] =	ssyncadd.s32 $0xFFFFC000  }
0x60: {  	[hbm4b:s22+s3] =	stream.linear.scatter [tilespmem:s14], [sflag:$0x6], $0x4000, $0x38;
	[tilespmem:$0xE800] =	vst v63  }
0x61: {  	_ =	swait.ge [sflag:s20], $0x4000  }
0x62: {  	[sflag:s20] =	ssyncset.done $0x0  }
0x63: {  	[sflag:s20] =	ssyncadd.s32 $0xFFFFC000  }
0x64: {  	_ =	swait.ge [sflag:s15], $0x4000  }
0x65: {  	[sflag:s15] =	ssyncset.done $0x0  }
0x66: {  	[sflag:s15] =	ssyncadd.s32 $0xFFFFC000  }
0x67: {  	[hbm4b:s6+s3] =	stream.linear.scatter [tilespmem:s12], [sflag:$0x4], $0x4000, $0x38;
	[tilespmem:$0xE800] =	vst v63  }
0x68: {  	_ =	swait.ge [sflag:s16], $0x4000  }
0x69: {  	[sflag:s16] =	ssyncset.done $0x0  }
0x6a: {  	[sflag:s16] =	ssyncadd.s32 $0xFFFFC000  }
0x6b: {  	s21 =	sadd.s32 $0x1, s21;
	_ =	swait.ge [sflag:s17], $0x4000  }
0x6c: {  	p0 =	sne.s32 s21, s5;
	[sflag:s17] =	ssyncset.done $0x0  }
.Ltmp1:
0x6d: {  	[sflag:s17] =	ssyncadd.s32 $0xFFFFC000;
	(pc) =	sbr.rel @p0 .LBB2_1-.Ltmp1, $4  }
0x6e: {  	[hbm4b:s7+s3] =	stream.linear.scatter [tilespmem:s13], [sflag:$0x5], $0x4000, $0x38;
	[tilespmem:$0xE800] =	vst v63  }
0x6f: {  	_ =	swait.ge [sflag:s18], $0x4000  }
0x70: {  	[sflag:s18] =	ssyncset.done $0x0  }
0x71: {  	[sflag:s18] =	ssyncadd.s32 $0xFFFFC000  }
0x72: {  	_ =	sfence.sel $0x180000  }
0x73: {  	[bflag:$0x0] =	sbarrier.arrive $0xFFFF  }
0x74: {  	p0 =	sne.s32 s0, $0x0;
	_ =	strace $0x90000047  }
0x75: {  	s0 =	sadd.s32 @!p0 $0x100000, s2;
	[bflag:$0x2] =	sbarrier.arrive $0xFFFF  }
0x76: {  	[sflag:s0] =	ssyncadd.tile.s32 @!p0 $0x1;
	_ =	shalt  }
.Lfunc_end2:
_tile_overlayer_lowered:
.L_overlay_start_2:
0x77: {  	(tag) =	ssettag $0x2  }
0x78: {  	s0 =	rddreg [dreg:$0x0];
	s2 =	stileid.u32  }
0x79: {  	s1 =	rddreg [dreg:$0x1];
	p0 =	sne.s32 s2, $0x0  }
0x7a: {  	s3 =	rddreg [dreg:$0x2];
	[bflag:$0x3] =	sbarrier.arrive $0xFFFF;
	s2 =	simm.s32 @!p0 $0x1C07  }
0x7b: {  	[timem:s3], [sflag:s2] =	dma.local @!p0 [hbm:s0], s1  }
0x7c: {  	s0 =	simm.s32 @!p0 $0x7  }
0x7d: {  	_ =	swait.ge @!p0 [sflag:s0], s1  }
0x7e: {  	s1 =	ssub.s32 @!p0 $0x0, s1;
	[sflag:s0] =	ssyncset.done @!p0 $0x0  }
0x7f: {  	[sflag:s0] =	ssyncadd.s32 @!p0 s1  }
0x80: {  	[bflag:$0x3] =	sbarrier.arrive $0xFFFF  }
0x81: {  	_ =	shalt  }

// kernel: sparse-core-data-format-call.1.cloned.1.call-start
scs
called_computation.1_lowered:
.L_overlay_start_0:
0x0: {  	s2 =	sld [smem:$0x3FD9]  }
0x1: {  	s3 =	sld [smem:$0x3FFE];
	_ =	sdelay $0x1  }
0x2: {  	s1 =	srdreg.scid  }
0x3: {  	s0 =	sand.u32 $0x1, s1  }
0x4: {  	s18 =	sshll.u32 s0, $0xA;
	s2 =	sadd.s32 s3, s2  }
0x5: {  	s2 =	sadd.s32 s2, s18  }
0x6: {  	[smem:$0x3FC4] =	sst s2  }
0x7: {  	_ = 	snop  }
0x8: {  	s2 =	sld [smem:$0x3FD0];
	(tm) =	ssettm $0x1  }
0x9: {  	s19 =	sld [smem:$0x3FFB];
	_ =	sdelay $0x3  }
0xa: {  	_ =	strace s19  }
0xb: {  	s3 =	sld [smem:$0x3FFC];
	_ =	sdelay $0x3  }
0xc: {  	_ =	strace s3  }
0xd: {  	s3 =	sld [smem:$0x3FFD];
	_ =	sdelay $0x3  }
0xe: {  	_ =	strace s3  }
0xf: {  	_ =	strace $0x8FFFFFFF  }
0x10: {  	s20 =	sld [smem:$0x3FDB];
	_ =	sdelay $0x1  }
0x11: {  	s4 =	simm.s32 $_scs_section_size  }
0x12: {  	s5 =	simm.s32 $_size__tile_overlayer_lowered;
	s6 =	simm.s32 $_tile_overlayer_lowered  }
0x13: {  	s23 =	simm.s32 $0x1BFF;
	s22 =	sshll.u32 s6, $0x1;
	s3 =	sadd.s32 s4, s20  }
0x14: {  	s7 =	simm.s32 $0x0;
	s21 =	sshll.u32 s5, $0x1;
	s5 =	sadd.s32 s22, s3  }
0x15: {  	[timem:s7], [sflag:s23] =	dma.local [hbm:s5], s21  }
0x16: {  	_ =	swait.ge [sflag:s23], s21  }
0x17: {  	s4 =	ssub.s32 $0x0, s21;
	[sflag:s23] =	ssyncset.done $0x0  }
0x18: {  	[sflag:s23] =	ssyncadd.s32 s4;
	_ =	sdelay $0x1  }
0x19: {  	s24 =	simm.s32 $0x1B8B  }
0x1a: {  	_ =	swait.ge [sflag:s24], $0x1  }
0x1b: {  	[sflag:s24] =	ssyncset.done $0x0  }
0x1c: {  	s26 =	simm.s32 $0x1B8E;
	s25 =	sld [smem:$0x3FFE];
	[sflag:s24] =	ssyncadd.s32 $0xFFFFFFFF  }
0x1d: {  	s27 =	simm.s32 $execute0_lowered;
	[smem:$0x3FD2] =	sst s26  }
0x1e: {  	s5 =	sshll.u32 s27, $0x1;
	_ =	strace $0x80000049;
	[dreg:$0x1] =	wrdreg $0xFFFFFFFF  }
0x1f: {  	s28 =	simm.s32 $_size_execute0_lowered;
	s3 =	sadd.s32 s3, s5;
	[dreg:$0x0] =	wrdreg $0x0  }
0x20: {  	s5 =	sshll.u32 s28, $0x1;
	[dreg:$0x2] =	wrdreg s3  }
0x21: {  	[dreg:$0x3] =	wrdreg s5  }
0x22: {  	[dreg:$0x4] =	wrdreg $0xC0  }
0x23: {  	_ =	task [dreg:s7], $0x5FFFF  }
0x24: {  	[dreg:$0x1] =	wrdreg $0xFFFFFFFF  }
0x25: {  	[dreg:$0x0] =	wrdreg $0x60  }
0x26: {  	[dreg:$0x2] =	wrdreg s2  }
0x27: {  	[dreg:$0x3] =	wrdreg s25  }
0x28: {  	[dreg:$0x4] =	wrdreg $0x9  }
0x29: {  	_ =	task.clear_ibuf [dreg:s7], $0x5FFFF;
	_ =	strace $0x90000049  }
0x2a: {  	s29 =	simm.s32 $0x9;
	_ =	strace $0x8000004B  }
0x2b: {  	_ =	swait.ge [sflag:s29], $0x1  }
0x2c: {  	[sflag:s29] =	ssyncadd.s32 $0xFFFFFFFF  }
0x2d: {  	_ =	strace $0x9000004B  }
0x2e: {  	_ =	sfence  }
0x2f: {  	s30 =	sld [smem:$0x0];
	_ =	sdelay $0x2  }
0x30: {  	s31 =	sshll.u32 s1, $0xD;
	s1 =	sshrl.u32 s1, $0x2  }
0x31: {  	s3 =	sand.u32 $0x4000, s31;
	s1 =	sadd.s32 s1, s30  }
0x32: {  	s0 =	sor.u32 s3, s0;
	s1 =	sshll.u32 s1, $0x11  }
0x33: {  	s0 =	sor.u32 s1, s0  }
0x34: {  	s0 =	sadd.s32 $0x8F2B, s0  }
0x35: {  	[sflag:s0] =	ssyncadd.remote.s32 $0x1  }
0x36: {  	_ =	sfence.sel $0xFFFF  }
0x37: {  	[dreg:$0x0] =	wrdreg $0xFFFFFFFF;
	(pc) =	sbr.abs _section_cstart, $3  }
0x38: {  	[dreg:$0x1] =	wrdreg $0xFFFFFFFF  }
0x39: {  	_ =	task.clear_ibuf [dreg:s7], $0x2FFFF;
	_ =	strace $0x9FFFFFFF  }
0x3a: {  	(tm) =	ssettm $0x7FFFFFFF  }
0x3b: {  	_ =	shalt  }
tec
execute0_lowered:
.L_overlay_start_1:
0x0: {  	(tag) =	ssettag $0x1  }
0x1: {  	s7 =	rddreg [dreg:$0x0]  }
0x2: {  	s1 =	rddreg [dreg:$0x1]  }
0x3: {  	s0 =	rddreg [dreg:$0x2];
	s2 =	srdreg.scid;
	_ =	strace $0x8000004A  }
0x4: {  	s6 =	simm.s32 $0x2;
	s13 =	simm.s32 $0x0;
	p0 =	por $0x0, $0x0  }
0x5: {  	s12 =	simm.s32 $0x0;
	s11 =	simm.s32 $0x0;
	s3 =	sshll.u32 s2, $0x4  }
0x6: {  	s2 =	sadd.s32 $0x1000, s1;
	s1 =	stileid.u32;
	s3 =	sand.u32 $0x10, s3  }
.Ltmp0:
0x7: {  	s5 =	sshll.u32 s1, $0x7;
	s4 =	sor.u32 s1, s3;
	(pc) =	sbr.rel .LBB1_1-.Ltmp0, $4  }
0x8: {  	s3 =	simm.s32 $0x1;
	s5 =	sand.u32 $0x80, s5;
	s4 =	sshrl.u32 s4, $0x1  }
0x9: {  	[sflag:s3] =	ssyncpa.u1 $0x0;
	s8 =	ssub.s32 $0x2700, s5;
	s10 =	smov.u32 s5  }
0xa: {  	s9 =	sshll.u32 s4, $0x4;
	[sflag:s6] =	ssyncpa.u1 $0x0;
	s6 =	sshrl.u32 s8, $0x8  }
0xb: {  	s7 =	sadd.s32 s7, s9;
	s8 =	sadd.s32 $0x2, s6;
	s9 =	simm.s32 $0x27800  }
.LBB1_5:
0xc: {  	s14 =	sadd.s32 $0x100, s10  }
0xd: {  	p2 =	sgt.s32 s14, $0x270F  }
0xe: {  	s14 =	smov.u32 @p2 s5;
	p2 =	sne.s32 s11, s8  }
.Ltmp1:
0xf: {  	p1 =	slt.u32 s11, $0x2;
	(pc) =	sbr.rel @!p2 .LBB1_6-.Ltmp1, $4  }
0x10: {  	s13 =	simm.s32 @!p1 $0x2  }
0x11: {  	s15 =	sadd.s32 $0x1, s11;
	s12 =	smov.u32 s10;
	_ =	swait.ge @!p1 [sflag:s13], $0x4000  }
0x12: {  	p0 =	por !p0, !p0;
	s11 =	smov.u32 s15;
	[sflag:s13] =	ssyncset.done @!p1 $0x0  }
0x13: {  	s10 =	smov.u32 s14;
	[sflag:s13] =	ssyncadd.s32 @!p1 $0xFFFFC000;
	s13 =	smov.u32 s4  }
.LBB1_1:
0x14: {  	p1 =	sgt.u32 s11, s6  }
0x15: {  	p2 =	sgt.s32 @!p1 s10, $0x2690  }
0x16: {  	s14 =	smov.u32 s10;
	s15 =	sshra.s32 @!p1 s10, $0x1F;
	p2 =	por !p2, p1  }
0x17: {  	s15 =	sand.u32 @!p1 s15, s10;
	s14 =	simm.s32 @p2 $0x2690  }
0x18: {  	s14 =	ssub.s32 @!p1 s14, s15  }
0x19: {  	s16 =	sxor.u32 @!p1 $0xFFFFFFFF, s11;
	s14 =	sadd.s32 @!p1 $0xFFFFD970, s14  }
0x1a: {  	s17 =	simm.s32 @!p1 $0x80;
	s18 =	simm.s32 @!p1 $0x800;
	s15 =	sshll.u32 @!p1 s14, $0x7  }
0x1b: {  	p2 =	sgt.s32 @!p1 s14, $0x7F;
	s14 =	ssub.s32 @!p1 $0x4000, s15;
	s15 =	sshll.u32 @!p1 s16, $0xE  }
0x1c: {  	p2 =	por !p2, p1;
	s16 =	sshll.u32 @!p1 s10, $0x8;
	s14 =	sand.u32 @!p1 $0x3FFFFF80, s14  }
0x1d: {  	s15 =	sand.u32 @!p1 $0x4000, s15;
	s16 =	sadd.s32 @!p1 s16, s7;
	s14 =	simm.s32 @!p2 $0x0  }
0x1e: {  	[tilespmem:s15], [sflag:$0x1] =	stream.strided.gather @!p1 [hbm4b:s16+s17], s14, s18, s17, $0x38;
	[tilespmem:$0x10100] =	vst v63  }
0x1f: {  	p1 =	seq.s32 s11, $0x0  }
0x20: {  	p2 =	sge.u32 @!p1 s11, s8  }
0x21: {  	p1 =	por p1, p2  }
.Ltmp2:
0x22: {  	_ = 	snop;
	(pc) =	sbr.rel @p1 .LBB1_5-.Ltmp2, $1  }
0x23: {  	_ =	sdelay $0x3  }
0x24: {  	p1 =	sgt.s32 s12, $0x2690;
	s14 =	smov.u32 s12;
	s15 =	sshra.s32 s12, $0x1F  }
0x25: {  	s14 =	simm.s32 @!p1 $0x2690;
	s15 =	sand.u32 s15, s12  }
0x26: {  	s14 =	ssub.s32 s14, s15  }
0x27: {  	s14 =	sadd.s32 $0xFFFFD970, s14  }
0x28: {  	s29 =	sshll.u32 s14, $0x7  }
0x29: {  	s15 =	ssub.s32 $0x4000, s29  }
0x2a: {  	p1 =	sgt.s32 s14, $0x7F;
	s14 =	sand.u32 $0x3FFFFF80, s15  }
0x2b: {  	s15 =	simm.s32 $0x1;
	s14 =	simm.s32 @p1 $0x0  }
0x2c: {  	s15 =	simm.s32 @!p0 $0x0;
	_ =	swait.ge [sflag:s3], s14  }
0x2d: {  	s16 =	sshll.u32 s15, $0xE;
	s14 =	ssub.s32 $0x0, s14;
	[sflag:s3] =	ssyncset.done $0x0  }
0x2e: {  	s17 =	sor.u32 $0x40, s16;
	[sflag:s3] =	ssyncadd.s32 s14  }
0x2f: {  	s30 =	smul.u32 $0x10200, s15;
	v0 =	vld [tilespmem:s17+$0x30]  }
0x30: {  	v1 =	vld [tilespmem:s17+$0xFFFFFFD0]  }
0x31: {  	s14 =	sshrl.u32 s30, $0x2;
	v5 =	vld [tilespmem:s17+$0xFFFFFFE0]  }
0x32: {  	s15 =	sor.u32 $0x8000, s14;
	v6 =	vld [tilespmem:s17+$0xFFFFFFF0]  }
0x33: {  	s31 =	sand.u32 $0x1, s11;
	v4 =	vld [tilespmem:s17+$0x0];
	s16 =	sadd.s32 $0x0, s15  }
0x34: {  	s14 =	smul.u32 $0x10200, s31;
	v3 =	vld [tilespmem:s17+$0x10];
	[tilespmem:s16+$0x3870 ss:$0x81] =	vst.msk $0xffff, v0  }
0x35: {  	v2 =	vld [tilespmem:s17+$0x20];
	[tilespmem:s16+$0x810 ss:$0x81] =	vst.msk $0xffff, v1  }
0x36: {  	s14 =	sshrl.u32 s14, $0x2;
	v0 =	vld [tilespmem:s17+$0xFFFFFFC0];
	[tilespmem:s16+$0x1020 ss:$0x81] =	vst.msk $0xffff, v5;
	s17 =	sadd.s32 $0x80, s17  }
0x37: {  	s18 =	simm.s32 $0x4;
	s19 =	simm.s32 $0x8;
	s14 =	sor.u32 $0x8000, s14;
	[tilespmem:s16+$0x1830 ss:$0x81] =	vst.msk $0xffff, v6;
	v1 =	vld [tilespmem:s17+$0x30]  }
.LBB1_3:
0x38: {  	p1 =	sne.s32 s19, $0x1FC;
	v5 =	vld [tilespmem:s17+$0xFFFFFFD0];
	[tilespmem:s16+$0x2040 ss:$0x81] =	vst.msk $0xffff, v4  }
0x39: {  	v6 =	vld [tilespmem:s17+$0xFFFFFFE0];
	[tilespmem:s16+$0x2850 ss:$0x81] =	vst.msk $0xffff, v3  }
0x3a: {  	s20 =	sshra.s32 s18, $0x2;
	s18 =	smov.u32 s19;
	v7 =	vld [tilespmem:s17+$0xFFFFFFF0];
	[tilespmem:s16+$0x3060 ss:$0x81] =	vst.msk $0xffff, v2  }
.Ltmp3:
0x3b: {  	v4 =	vld [tilespmem:s17+$0x0];
	[tilespmem:s16+$0x0 ss:$0x81] =	vst.msk $0xffff, v0;
	s16 =	sadd.s32 s20, s15;
	(pc) =	sbr.rel @p1 .LBB1_3-.Ltmp3, $4  }
0x3c: {  	v3 =	vld [tilespmem:s17+$0x10];
	[tilespmem:s16+$0x3870 ss:$0x81] =	vst.msk $0xffff, v1  }
0x3d: {  	[tilespmem:s16+$0x810 ss:$0x81] =	vst.msk $0xffff, v5;
	v2 =	vld [tilespmem:s17+$0x20]  }
0x3e: {  	v0 =	vld [tilespmem:s17+$0xFFFFFFC0];
	[tilespmem:s16+$0x1020 ss:$0x81] =	vst.msk $0xffff, v6;
	s17 =	sadd.s32 $0x80, s17  }
0x3f: {  	s19 =	sadd.s32 $0x4, s19;
	v1 =	vld [tilespmem:s17+$0x30];
	[tilespmem:s16+$0x1830 ss:$0x81] =	vst.msk $0xffff, v7  }
0x40: {  	s19 =	sshrl.u32 s13, $0x3  }
0x41: {  	s20 =	sshll.u32 s12, $0x3;
	s19 =	smul.u32 $0x13C00, s19  }
0x42: {  	s29 =	sshll.u32 s13, $0x7;
	s20 =	sand.u32 $0xFFFFFC00, s20  }
0x43: {  	v5 =	vld [tilespmem:s17+$0xFFFFFFD0];
	[tilespmem:s16+$0x2040 ss:$0x81] =	vst.msk $0xffff, v4;
	s13 =	sand.u32 $0x380, s29;
	s19 =	sadd.s32 s20, s19  }
0x44: {  	v58 =	vld [tilespmem:s17+$0xFFFFFFE0];
	s30 =	sand.u32 $0x7F, s12;
	[tilespmem:s16+$0x2850 ss:$0x81] =	vst.msk $0xffff, v3;
	s13 =	sor.u32 s13, s19  }
0x45: {  	s18 =	sshra.s32 s18, $0x2;
	v59 =	vld [tilespmem:s17+$0xFFFFFFF0];
	[tilespmem:s16+$0x3060 ss:$0x81] =	vst.msk $0xffff, v2;
	s12 =	sor.u32 s30, s13  }
0x46: {  	v60 =	vld [tilespmem:s17+$0x0];
	s15 =	sadd.s32 s18, s15;
	[tilespmem:s16+$0x0 ss:$0x81] =	vst.msk $0xffff, v0;
	s31 =	smulhi.u32 $0xCF6474A9, s12  }
0x47: {  	v61 =	vld [tilespmem:s17+$0x10];
	[tilespmem:s15+$0x3870 ss:$0x81] =	vst.msk $0xffff, v1  }
0x48: {  	v62 =	vld [tilespmem:s17+$0x20];
	[tilespmem:s15+$0x810 ss:$0x81] =	vst.msk $0xffff, v5;
	s13 =	smulhi.u32 $0xCF6474A9, s13;
	s16 =	sshrl.u32 s31, $0xD  }
0x49: {  	v63 =	vld [tilespmem:s17+$0xFFFFFFC0];
	[tilespmem:s15+$0x1020 ss:$0x81] =	vst.msk $0xffff, v58;
	s16 =	smul.u32 $0x2780, s16  }
0x4a: {  	[tilespmem:s15+$0x1830 ss:$0x81] =	vst.msk $0xffff, v59;
	s13 =	sshrl.u32 s13, $0xD  }
.Ltmp4:
0x4b: {  	[tilespmem:s15+$0x2040 ss:$0x81] =	vst.msk $0xffff, v60;
	s13 =	sand.u32 $0xF, s13;
	s12 =	ssub.s32 s12, s16;
	(pc) =	sbr.rel .LBB1_5-.Ltmp4, $4  }
0x4c: {  	[tilespmem:s15+$0x2850 ss:$0x81] =	vst.msk $0xffff, v61;
	s13 =	smul.u32 $0x4F0, s13;
	s16 =	sshrl.u32 s12, $0x3;
	s12 =	sand.u32 $0x7, s12  }
0x4d: {  	[tilespmem:s15+$0x3060 ss:$0x81] =	vst.msk $0xffff, v62;
	s16 =	sadd.s32 s2, s16;
	s12 =	sshll.u32 s12, $0x12  }
0x4e: {  	[tilespmem:s15+$0x0 ss:$0x81] =	vst.msk $0xffff, v63;
	s13 =	sadd.s32 s13, s16;
	s12 =	sor.u32 $0x80, s12  }
0x4f: {  	[hbm4b:s13+s12] =	stream.strided.scatter [tilespmem:s14], [sflag:$0x2], $0x4000, s9, s12, $0x20;
	[tilespmem:$0x10100] =	vst v63  }
.LBB1_6:
0x50: {  	_ =	sfence.sel $0x180000  }
0x51: {  	s2 =	simm.s32 $0x1;
	[bflag:$0x0] =	sbarrier.arrive $0xFFFF  }
0x52: {  	s31 =	simm.s32 $0x2;
	[sflag:s2] =	ssyncpa.u1 $0x1  }
0x53: {  	[sflag:s31] =	ssyncpa.u1 $0x1  }
0x54: {  	p0 =	sne.s32 s1, $0x0;
	_ =	strace $0x9000004A  }
0x55: {  	s0 =	sadd.s32 @!p0 $0x100000, s0;
	[bflag:$0x2] =	sbarrier.arrive $0xFFFF  }
0x56: {  	[sflag:s0] =	ssyncadd.tile.s32 @!p0 $0x1;
	_ =	shalt  }
.Lfunc_end1:
_tile_overlayer_lowered:
.L_overlay_start_2:
0x57: {  	(tag) =	ssettag $0x2  }
0x58: {  	s0 =	rddreg [dreg:$0x0];
	s2 =	stileid.u32  }
0x59: {  	s1 =	rddreg [dreg:$0x1];
	p0 =	sne.s32 s2, $0x0  }
0x5a: {  	s3 =	rddreg [dreg:$0x2];
	[bflag:$0x3] =	sbarrier.arrive $0xFFFF;
	s2 =	simm.s32 @!p0 $0x1C01  }
0x5b: {  	[timem:s3], [sflag:s2] =	dma.local @!p0 [hbm:s0], s1  }
0x5c: {  	s0 =	simm.s32 @!p0 $0x1  }
0x5d: {  	_ =	swait.ge @!p0 [sflag:s0], s1  }
0x5e: {  	s1 =	ssub.s32 @!p0 $0x0, s1;
	[sflag:s0] =	ssyncset.done @!p0 $0x0  }
0x5f: {  	[sflag:s0] =	ssyncadd.s32 @!p0 s1  }
0x60: {  	[bflag:$0x3] =	sbarrier.arrive $0xFFFF  }
0x61: {  	_ =	shalt  }

// kernel: sparse-core-data-format-call.cloned.1.call-start
scs
called_computation_lowered:
.L_overlay_start_0:
0x0: {  	s2 =	sld [smem:$0x3FD9]  }
0x1: {  	s3 =	sld [smem:$0x3FFE];
	_ =	sdelay $0x1  }
0x2: {  	s1 =	srdreg.scid  }
0x3: {  	s0 =	sand.u32 $0x1, s1  }
0x4: {  	s18 =	sshll.u32 s0, $0xA;
	s2 =	sadd.s32 s3, s2  }
0x5: {  	s2 =	sadd.s32 s2, s18  }
0x6: {  	[smem:$0x3FC4] =	sst s2  }
0x7: {  	_ = 	snop  }
0x8: {  	s2 =	sld [smem:$0x3FD0];
	(tm) =	ssettm $0x1  }
0x9: {  	s19 =	sld [smem:$0x3FFB];
	_ =	sdelay $0x3  }
0xa: {  	_ =	strace s19  }
0xb: {  	s3 =	sld [smem:$0x3FFC];
	_ =	sdelay $0x3  }
0xc: {  	_ =	strace s3  }
0xd: {  	s3 =	sld [smem:$0x3FFD];
	_ =	sdelay $0x3  }
0xe: {  	_ =	strace s3  }
0xf: {  	_ =	strace $0x8FFFFFFF  }
0x10: {  	s20 =	sld [smem:$0x3FDB];
	_ =	sdelay $0x1  }
0x11: {  	s4 =	simm.s32 $_scs_section_size  }
0x12: {  	s5 =	simm.s32 $_size__tile_overlayer_lowered;
	s6 =	simm.s32 $_tile_overlayer_lowered  }
0x13: {  	s23 =	simm.s32 $0x1BFF;
	s22 =	sshll.u32 s6, $0x1;
	s3 =	sadd.s32 s4, s20  }
0x14: {  	s7 =	simm.s32 $0x0;
	s21 =	sshll.u32 s5, $0x1;
	s5 =	sadd.s32 s22, s3  }
0x15: {  	[timem:s7], [sflag:s23] =	dma.local [hbm:s5], s21  }
0x16: {  	_ =	swait.ge [sflag:s23], s21  }
0x17: {  	s4 =	ssub.s32 $0x0, s21;
	[sflag:s23] =	ssyncset.done $0x0  }
0x18: {  	[sflag:s23] =	ssyncadd.s32 s4;
	_ =	sdelay $0x1  }
0x19: {  	s24 =	simm.s32 $0x1B8B  }
0x1a: {  	_ =	swait.ge [sflag:s24], $0x1  }
0x1b: {  	[sflag:s24] =	ssyncset.done $0x0  }
0x1c: {  	s26 =	simm.s32 $0x1B8E;
	s25 =	sld [smem:$0x3FFE];
	[sflag:s24] =	ssyncadd.s32 $0xFFFFFFFF  }
0x1d: {  	s27 =	simm.s32 $execute0_lowered;
	[smem:$0x3FD2] =	sst s26  }
0x1e: {  	s5 =	sshll.u32 s27, $0x1;
	_ =	strace $0x8000004C;
	[dreg:$0x1] =	wrdreg $0xFFFFFFFF  }
0x1f: {  	s28 =	simm.s32 $_size_execute0_lowered;
	s3 =	sadd.s32 s3, s5;
	[dreg:$0x0] =	wrdreg $0x0  }
0x20: {  	s5 =	sshll.u32 s28, $0x1;
	[dreg:$0x2] =	wrdreg s3  }
0x21: {  	[dreg:$0x3] =	wrdreg s5  }
0x22: {  	[dreg:$0x4] =	wrdreg $0xC0  }
0x23: {  	_ =	task [dreg:s7], $0x5FFFF  }
0x24: {  	[dreg:$0x1] =	wrdreg $0xFFFFFFFF  }
0x25: {  	[dreg:$0x0] =	wrdreg $0x60  }
0x26: {  	[dreg:$0x2] =	wrdreg s25  }
0x27: {  	[dreg:$0x3] =	wrdreg s2  }
0x28: {  	[dreg:$0x4] =	wrdreg $0x9  }
0x29: {  	_ =	task.clear_ibuf [dreg:s7], $0x5FFFF;
	_ =	strace $0x9000004C  }
0x2a: {  	s29 =	simm.s32 $0x9;
	_ =	strace $0x8000004E  }
0x2b: {  	_ =	swait.ge [sflag:s29], $0x1  }
0x2c: {  	[sflag:s29] =	ssyncadd.s32 $0xFFFFFFFF  }
0x2d: {  	_ =	strace $0x9000004E  }
0x2e: {  	_ =	sfence  }
0x2f: {  	s30 =	sld [smem:$0x0];
	_ =	sdelay $0x2  }
0x30: {  	s31 =	sshll.u32 s1, $0xD;
	s1 =	sshrl.u32 s1, $0x2  }
0x31: {  	s3 =	sand.u32 $0x4000, s31;
	s1 =	sadd.s32 s1, s30  }
0x32: {  	s0 =	sor.u32 s3, s0;
	s1 =	sshll.u32 s1, $0x11  }
0x33: {  	s0 =	sor.u32 s1, s0  }
0x34: {  	s0 =	sadd.s32 $0x8F2B, s0  }
0x35: {  	[sflag:s0] =	ssyncadd.remote.s32 $0x1  }
0x36: {  	_ =	sfence.sel $0xFFFF  }
0x37: {  	[dreg:$0x0] =	wrdreg $0xFFFFFFFF;
	(pc) =	sbr.abs _section_cstart, $3  }
0x38: {  	[dreg:$0x1] =	wrdreg $0xFFFFFFFF  }
0x39: {  	_ =	task.clear_ibuf [dreg:s7], $0x2FFFF;
	_ =	strace $0x9FFFFFFF  }
0x3a: {  	(tm) =	ssettm $0x7FFFFFFF  }
0x3b: {  	_ =	shalt  }
tec
execute0_lowered:
.L_overlay_start_1:
0x0: {  	(tag) =	ssettag $0x1  }
0x1: {  	s0 =	stileid.u32  }
0x2: {  	s2 =	srdreg.scid;
	s7 =	rddreg [dreg:$0x0]  }
0x3: {  	s3 =	rddreg [dreg:$0x1];
	s6 =	simm.s32 $0x1;
	s31 =	simm.s32 $0x2  }
0x4: {  	s16 =	simm.s32 $0x0;
	s9 =	simm.s32 $0x4000;
	s15 =	simm.s32 $0x0  }
0x5: {  	s10 =	simm.s32 $0x0;
	s11 =	simm.s32 $0x0;
	s1 =	sshll.u32 s0, $0x7  }
0x6: {  	s14 =	simm.s32 $0x0;
	s2 =	sshll.u32 s2, $0x7;
	s5 =	ssub.s32 $0x800, s1  }
0x7: {  	s7 =	sadd.s32 $0x1000, s7;
	s4 =	sand.u32 $0x80, s2;
	s29 =	sand.u32 $0x780, s5  }
0x8: {  	s30 =	ssub.s32 $0x2700, s4;
	s5 =	sshrl.u32 s5, $0xB;
	p0 =	sne.s32 s29, $0x0  }
.Ltmp0:
0x9: {  	s8 =	sshrl.u32 s30, $0x8;
	s6 =	simm.s32 @!p0 $0x0;
	(pc) =	sbr.rel .LBB1_1-.Ltmp0, $4  }
0xa: {  	s2 =	rddreg [dreg:$0x2];
	s8 =	sadd.s32 $0x1, s8;
	s6 =	sadd.s32 s6, s5  }
0xb: {  	_ =	strace $0x8000004D;
	s5 =	simm.s32 $0x1;
	s6 =	smul.u32 s8, s6  }
0xc: {  	s13 =	smov.u32 s1;
	s12 =	smov.u32 s4;
	[sflag:s5] =	ssyncpa.u1 $0x0  }
0xd: {  	p0 =	por $0x0, $0x0;
	[sflag:s31] =	ssyncpa.u1 $0x0;
	s8 =	sadd.s32 $0x1, s6  }
.LBB1_4:
0xe: {  	s21 =	sshra.s32 s21, $0x2;
	s26 =	sshll.u32 s10, $0xB  }
0xf: {  	s22 =	sand.u32 $0x78, s11;
	s23 =	sshll.u32 s11, $0x3;
	s25 =	sshll.u32 s10, $0x7  }
0x10: {  	p1 =	sgt.s32 s10, $0x2690;
	s29 =	sshra.s32 s10, $0x1F;
	s20 =	sadd.s32 s21, s20  }
0x11: {  	s21 =	sand.u32 $0xFFFFC000, s26;
	s24 =	sand.u32 $0xFFFFFC00, s23;
	s23 =	sand.u32 $0x400, s23  }
0x12: {  	v5 =	vld [tilespmem:s18+$0xFFFFFFD0];
	[tilespmem:s19+$0x2040 ss:$0x81] =	vst.msk $0xffff, v4;
	s27 =	sand.u32 $0x380, s25;
	s30 =	sand.u32 s29, s10;
	s25 =	smov.u32 s11  }
0x13: {  	v58 =	vld [tilespmem:s18+$0xFFFFFFE0];
	[tilespmem:s19+$0x2850 ss:$0x81] =	vst.msk $0xffff, v3;
	s26 =	sshra.s32 s11, $0x1F;
	s21 =	sadd.s32 s24, s21;
	s22 =	sor.u32 s22, s23  }
0x14: {  	v59 =	vld [tilespmem:s18+$0xFFFFFFF0];
	[tilespmem:s19+$0x3060 ss:$0x81] =	vst.msk $0xffff, v2;
	s23 =	smov.u32 s10;
	s31 =	sand.u32 s26, s11;
	s22 =	sor.u32 s27, s22  }
0x15: {  	v60 =	vld [tilespmem:s18+$0x0];
	[tilespmem:s19+$0x0 ss:$0x81] =	vst.msk $0xffff, v1;
	s21 =	sshrl.u32 s21, $0xB;
	s23 =	simm.s32 @!p1 $0x2690;
	p1 =	sgt.s32 s11, $0x780  }
0x16: {  	v61 =	vld [tilespmem:s18+$0x10];
	[tilespmem:s20+$0x3870 ss:$0x81] =	vst.msk $0xffff, v0;
	s28 =	smulhi.u32 $0x1A36E3, s21;
	s19 =	ssub.s32 s23, s30;
	s25 =	simm.s32 @!p1 $0x780  }
0x17: {  	v62 =	vld [tilespmem:s18+$0x20];
	[tilespmem:s20+$0x810 ss:$0x81] =	vst.msk $0xffff, v5;
	s23 =	ssub.s32 s25, s31;
	s26 =	sadd.s32 $0xFFFFD970, s19;
	s19 =	ssub.s32 $0x2710, s19  }
0x18: {  	v63 =	vld [tilespmem:s18+$0xFFFFFFC0];
	[tilespmem:s20+$0x1020 ss:$0x81] =	vst.msk $0xffff, v58;
	s24 =	sshrl.u32 s28, $0x2;
	p1 =	sgt.s32 s26, $0x7F;
	s28 =	sadd.s32 $0xFFFFF880, s23  }
0x19: {  	[tilespmem:s20+$0x1830 ss:$0x81] =	vst.msk $0xffff, v59;
	s23 =	ssub.s32 $0x800, s23;
	s27 =	smul.u32 $0x2710, s24;
	p2 =	sgt.s32 s28, $0x7F  }
0x1a: {  	s29 =	sshrl.u32 s22, $0x3;
	[tilespmem:s20+$0x2040 ss:$0x81] =	vst.msk $0xffff, v60;
	s19 =	simm.s32 @p1 $0x0;
	s23 =	simm.s32 @p2 $0x0  }
0x1b: {  	s30 =	sand.u32 $0x7, s11;
	[tilespmem:s20+$0x2850 ss:$0x81] =	vst.msk $0xffff, v61;
	s18 =	ssub.s32 s21, s27;
	s19 =	smul.u32 s23, s19  }
0x1c: {  	[tilespmem:s20+$0x3060 ss:$0x81] =	vst.msk $0xffff, v62;
	s22 =	sshll.u32 s30, $0x12;
	s21 =	sadd.s32 s3, s29;
	s18 =	sshll.u32 s18, $0x8  }
0x1d: {  	[tilespmem:s20+$0x0 ss:$0x81] =	vst.msk $0xffff, v63;
	s31 =	sor.u32 $0x400, s22;
	s19 =	sand.u32 $0x3FFFFFFF, s19;
	s18 =	sadd.s32 s18, s21  }
0x1e: {  	[hbm4b:s18+s31] =	stream.strided.scatter [tilespmem:s17], [sflag:$0x2], s19, s9, s31, $0x20;
	[tilespmem:$0x10100] =	vst v63  }
.LBB1_5:
0x1f: {  	p1 =	slt.u32 s14, $0x2  }
0x20: {  	s18 =	smov.u32 s16;
	p2 =	sgt.s32 @!p1 s16, $0x2690;
	s17 =	sshra.s32 @!p1 s16, $0x1F  }
0x21: {  	p3 =	sgt.s32 @!p1 s15, $0x780;
	s19 =	sshra.s32 @!p1 s15, $0x1F;
	p2 =	por !p2, p1  }
0x22: {  	s16 =	sand.u32 @!p1 s17, s16;
	p3 =	por !p3, p1;
	s17 =	smov.u32 s15  }
0x23: {  	s15 =	sand.u32 @!p1 s19, s15;
	s18 =	simm.s32 @p2 $0x2690;
	s17 =	simm.s32 @p3 $0x780  }
0x24: {  	s16 =	ssub.s32 @!p1 s18, s16;
	s15 =	ssub.s32 @!p1 s17, s15  }
0x25: {  	s19 =	smov.u32 s13;
	s17 =	sadd.s32 @!p1 $0xFFFFD970, s16;
	s18 =	sadd.s32 @!p1 $0xFFFFF880, s15  }
0x26: {  	s16 =	ssub.s32 @!p1 $0x2710, s16;
	p2 =	sgt.s32 @!p1 s17, $0x7F;
	p3 =	sgt.s32 @!p1 s18, $0x7F  }
0x27: {  	s15 =	ssub.s32 @!p1 $0x800, s15;
	p2 =	por !p2, p1;
	p3 =	por !p3, p1  }
0x28: {  	s17 =	sadd.s32 $0x100, s12;
	s16 =	simm.s32 @!p2 $0x0;
	s15 =	simm.s32 @!p3 $0x0  }
0x29: {  	p2 =	sgt.s32 s17, $0x270F;
	s15 =	smul.u32 @!p1 s15, s16;
	s16 =	sadd.s32 $0x800, s13  }
0x2a: {  	s19 =	smov.u32 @p2 s16  }
0x2b: {  	s17 =	smov.u32 @p2 s4;
	p2 =	sgt.s32 s19, $0x7FF  }
0x2c: {  	s19 =	smov.u32 @p2 s1;
	p2 =	sne.s32 s14, s8  }
.Ltmp1:
0x2d: {  	p0 =	por !p0, !p0;
	s18 =	simm.s32 @!p1 $0x2;
	(pc) =	sbr.rel @!p2 .LBB1_6-.Ltmp1, $4  }
0x2e: {  	s16 =	smov.u32 s10;
	s10 =	smov.u32 s12;
	s15 =	sand.u32 @!p1 $0x3FFFFFFF, s15  }
0x2f: {  	s12 =	smov.u32 s17;
	_ =	swait.ge @!p1 [sflag:s18], s15;
	s20 =	ssub.s32 @!p1 $0x0, s15  }
0x30: {  	s15 =	smov.u32 s11;
	s14 =	sadd.s32 $0x1, s14;
	[sflag:s18] =	ssyncset.done @!p1 $0x0  }
0x31: {  	s11 =	smov.u32 s13;
	s13 =	smov.u32 s19;
	[sflag:s18] =	ssyncadd.s32 @!p1 s20  }
.LBB1_1:
0x32: {  	p1 =	sge.u32 s14, s6  }
0x33: {  	s17 =	sshrl.u32 @!p1 s13, $0x3  }
0x34: {  	s18 =	sshll.u32 @!p1 s12, $0x3;
	s17 =	smul.u32 @!p1 $0x13C00, s17  }
0x35: {  	s19 =	sshll.u32 @!p1 s13, $0x7;
	s18 =	sand.u32 @!p1 $0xFFFFFC00, s18  }
0x36: {  	s17 =	sadd.s32 @!p1 s17, s18;
	s18 =	sand.u32 @!p1 $0x380, s19  }
0x37: {  	s19 =	sand.u32 @!p1 $0x7F, s12;
	s17 =	sor.u32 @!p1 s18, s17  }
0x38: {  	s18 =	sor.u32 @!p1 s19, s17  }
0x39: {  	s19 =	smulhi.u32 @!p1 $0xCF6474A9, s18;
	_ =	sdelay $0x1  }
0x3a: {  	s17 =	smulhi.u32 @!p1 $0xCF6474A9, s17;
	s19 =	sshrl.u32 @!p1 s19, $0xD  }
0x3b: {  	s19 =	smul.u32 @!p1 $0x2780, s19  }
0x3c: {  	s31 =	sadd.s32 $0xFFFFFFFF, s14;
	s20 =	sxor.u32 @!p1 $0xFFFFFFFF, s14;
	s17 =	sshrl.u32 @!p1 s17, $0xD  }
0x3d: {  	s20 =	sshll.u32 @!p1 s20, $0xE;
	s17 =	sand.u32 @!p1 $0x7FF, s17;
	s18 =	ssub.s32 @!p1 s18, s19  }
0x3e: {  	s17 =	smul.u32 @!p1 $0x4F0, s17;
	s19 =	sshrl.u32 @!p1 s18, $0x3;
	s18 =	sand.u32 @!p1 $0x7, s18  }
0x3f: {  	s20 =	sand.u32 @!p1 $0x4000, s20;
	s19 =	sadd.s32 @!p1 s7, s19;
	s18 =	sshll.u32 @!p1 s18, $0x12  }
0x40: {  	s17 =	sadd.s32 @!p1 s17, s19;
	s18 =	sor.u32 @!p1 $0x400, s18;
	s19 =	simm.s32 @!p1 $0x13C00  }
0x41: {  	[tilespmem:s20], [sflag:$0x1] =	stream.strided.gather @!p1 [hbm4b:s17+s18], $0x4000, s19, s18, $0x38;
	[tilespmem:$0x10100] =	vst v63  }
0x42: {  	p1 =	sge.u32 s31, s6  }
.Ltmp2:
0x43: {  	_ = 	snop;
	(pc) =	sbr.rel @p1 .LBB1_5-.Ltmp2, $1  }
0x44: {  	_ =	sdelay $0x3  }
0x45: {  	s17 =	simm.s32 $0x1  }
0x46: {  	_ =	swait.ge [sflag:s5], $0x4000;
	s17 =	simm.s32 @!p0 $0x0  }
0x47: {  	[sflag:s5] =	ssyncset.done $0x0;
	s18 =	sshll.u32 s17, $0xE  }
0x48: {  	[sflag:s5] =	ssyncadd.s32 $0xFFFFC000;
	s18 =	sor.u32 $0x40, s18  }
0x49: {  	s17 =	smul.u32 $0x10200, s17;
	v0 =	vld [tilespmem:s18+$0x30]  }
0x4a: {  	v1 =	vld [tilespmem:s18+$0xFFFFFFD0]  }
0x4b: {  	s17 =	sshrl.u32 s17, $0x2;
	v5 =	vld [tilespmem:s18+$0xFFFFFFE0]  }
0x4c: {  	v6 =	vld [tilespmem:s18+$0xFFFFFFF0];
	s20 =	sor.u32 $0x8000, s17  }
0x4d: {  	s31 =	sand.u32 $0x1, s14;
	v4 =	vld [tilespmem:s18+$0x0];
	s19 =	sadd.s32 $0x0, s20  }
0x4e: {  	v3 =	vld [tilespmem:s18+$0x10];
	s17 =	smul.u32 $0x10200, s31;
	[tilespmem:s19+$0x3870 ss:$0x81] =	vst.msk $0xffff, v0  }
0x4f: {  	v2 =	vld [tilespmem:s18+$0x20];
	[tilespmem:s19+$0x810 ss:$0x81] =	vst.msk $0xffff, v1  }
0x50: {  	s17 =	sshrl.u32 s17, $0x2;
	v1 =	vld [tilespmem:s18+$0xFFFFFFC0];
	[tilespmem:s19+$0x1020 ss:$0x81] =	vst.msk $0xffff, v5;
	s18 =	sadd.s32 $0x80, s18  }
0x51: {  	s21 =	simm.s32 $0x4;
	s22 =	simm.s32 $0x8;
	s17 =	sor.u32 $0x8000, s17;
	[tilespmem:s19+$0x1830 ss:$0x81] =	vst.msk $0xffff, v6;
	v0 =	vld [tilespmem:s18+$0x30]  }
.LBB1_3:
0x52: {  	p1 =	sne.s32 s22, $0x1FC;
	v5 =	vld [tilespmem:s18+$0xFFFFFFD0];
	[tilespmem:s19+$0x2040 ss:$0x81] =	vst.msk $0xffff, v4  }
0x53: {  	v6 =	vld [tilespmem:s18+$0xFFFFFFE0];
	[tilespmem:s19+$0x2850 ss:$0x81] =	vst.msk $0xffff, v3  }
0x54: {  	s23 =	sshra.s32 s21, $0x2;
	s21 =	smov.u32 s22;
	v7 =	vld [tilespmem:s18+$0xFFFFFFF0];
	[tilespmem:s19+$0x3060 ss:$0x81] =	vst.msk $0xffff, v2  }
.Ltmp3:
0x55: {  	v4 =	vld [tilespmem:s18+$0x0];
	[tilespmem:s19+$0x0 ss:$0x81] =	vst.msk $0xffff, v1;
	s19 =	sadd.s32 s23, s20;
	(pc) =	sbr.rel @p1 .LBB1_3-.Ltmp3, $4  }
0x56: {  	v3 =	vld [tilespmem:s18+$0x10];
	[tilespmem:s19+$0x3870 ss:$0x81] =	vst.msk $0xffff, v0  }
0x57: {  	[tilespmem:s19+$0x810 ss:$0x81] =	vst.msk $0xffff, v5;
	v2 =	vld [tilespmem:s18+$0x20]  }
0x58: {  	v1 =	vld [tilespmem:s18+$0xFFFFFFC0];
	[tilespmem:s19+$0x1020 ss:$0x81] =	vst.msk $0xffff, v6;
	s18 =	sadd.s32 $0x80, s18  }
0x59: {  	s22 =	sadd.s32 $0x4, s22;
	v0 =	vld [tilespmem:s18+$0x30];
	[tilespmem:s19+$0x1830 ss:$0x81] =	vst.msk $0xffff, v7  }
.Ltmp4:
0x5a: {  	_ = 	snop;
	(pc) =	sbr.rel .LBB1_4-.Ltmp4, $1  }
0x5b: {  	_ =	sdelay $0x3  }
.LBB1_6:
0x5c: {  	_ =	sfence.sel $0x180000  }
0x5d: {  	s1 =	simm.s32 $0x1;
	[bflag:$0x0] =	sbarrier.arrive $0xFFFF  }
0x5e: {  	s31 =	simm.s32 $0x2;
	[sflag:s1] =	ssyncpa.u1 $0x1  }
0x5f: {  	[sflag:s31] =	ssyncpa.u1 $0x1  }
0x60: {  	p0 =	sne.s32 s0, $0x0;
	_ =	strace $0x9000004D  }
0x61: {  	s0 =	sadd.s32 @!p0 $0x100000, s2;
	[bflag:$0x2] =	sbarrier.arrive $0xFFFF  }
0x62: {  	[sflag:s0] =	ssyncadd.tile.s32 @!p0 $0x1;
	_ =	shalt  }
.Lfunc_end1:
_tile_overlayer_lowered:
.L_overlay_start_2:
0x63: {  	(tag) =	ssettag $0x2  }
0x64: {  	s0 =	rddreg [dreg:$0x0];
	s2 =	stileid.u32  }
0x65: {  	s1 =	rddreg [dreg:$0x1];
	p0 =	sne.s32 s2, $0x0  }
0x66: {  	s3 =	rddreg [dreg:$0x2];
	[bflag:$0x3] =	sbarrier.arrive $0xFFFF;
	s2 =	simm.s32 @!p0 $0x1C01  }
0x67: {  	[timem:s3], [sflag:s2] =	dma.local @!p0 [hbm:s0], s1  }
0x68: {  	s0 =	simm.s32 @!p0 $0x1  }
0x69: {  	_ =	swait.ge @!p0 [sflag:s0], s1  }
0x6a: {  	s1 =	ssub.s32 @!p0 $0x0, s1;
	[sflag:s0] =	ssyncset.done @!p0 $0x0  }
0x6b: {  	[sflag:s0] =	ssyncadd.s32 @!p0 s1  }
0x6c: {  	[bflag:$0x3] =	sbarrier.arrive $0xFFFF  }
0x6d: {  	_ =	shalt  }

</sc_bundles>
